<compile_context>
chip_gen: v7x
topology: tpu7x:2x2x1
jax: 0.10.2.dev20260603
libtpu: 0.0.44.dev20260713+nightly
codegen_flags: <defaults>
</compile_context>

<pallas_src>
import jax
import jax.numpy as jnp
import numpy as np
from jax import lax
from jax.experimental import pallas as pl
from jax.experimental.pallas import tpu as pltpu
from jax.experimental.pallas import tpu_sc as plsc

_N = 10000
_NP = 10240
_SLICE = _NP // 16
_NSUB = 16
_E = 320000
_EPT = _E // _NSUB
_ALPHA = 0.85
_MAXIT = 100
_THRESH = np.float32(_N * 1e-06)
_V0 = np.float32(1.0 / _N)
_ADDEND = np.float32(np.float32(1.0 / _N) * np.float32(1.0 - _ALPHA))
_LN = 16


def _body(rows_hbm, cols_hbm, out_hbm, rows_v, cols_v, ev,
          vsl, usl, msl, ainv, addend, zbuf, errw, errall,
          u_sh, mv_sh, err_sh):
    s = lax.axis_index("s")
    c = lax.axis_index("c")
    base = s * _SLICE
    ebase = s * _EPT

    pltpu.sync_copy(rows_hbm.at[pl.ds(ebase, _EPT)], rows_v)
    pltpu.sync_copy(cols_hbm.at[pl.ds(ebase, _EPT)], cols_v)

    lane = lax.iota(jnp.int32, 16)

    def initk(k, carry):
        gidx = base + (k * _LN) + lane
        m = gidx < _N
        vsl[pl.ds(k * 16, 16)] = jnp.where(m, _V0, np.float32(0.0))
        addend[pl.ds(k * 16, 16)] = jnp.where(m, _ADDEND, np.float32(0.0))
        zbuf[pl.ds(k * 16, 16)] = jnp.zeros((16,), jnp.float32)
        return carry

    lax.fori_loop(0, _SLICE // _LN, initk, 0)

    def onesk(k, carry):
        ev[pl.ds(k * 16, 16)] = jnp.ones((16,), jnp.float32)
        return carry

    lax.fori_loop(0, _EPT // _LN, onesk, 0)

    pltpu.sync_copy(zbuf, mv_sh.at[pl.ds(base, _SLICE)])
    plsc.subcore_barrier()
    pltpu.sync_copy(ev, mv_sh.at[cols_v], add=True)
    plsc.subcore_barrier()
    pltpu.sync_copy(mv_sh.at[pl.ds(base, _SLICE)], msl)
    pltpu.sync_copy(zbuf, mv_sh.at[pl.ds(base, _SLICE)])
    def ainvk(k, carry):
        d = msl[pl.ds(k * 16, 16)]
        ainv[pl.ds(k * 16, 16)] = jnp.where(
            d > np.float32(0.0), np.float32(_ALPHA) / d, np.float32(0.0))
        return carry

    lax.fori_loop(0, _SLICE // _LN, ainvk, 0)

    errw[...] = jnp.ones((16,), jnp.float32)

    def itbody(i, _):
        t = errw[...]
        done = t[0] < _THRESH

        @pl.when(jnp.logical_not(done))
        def _():
            def uk(k, carry):
                usl[pl.ds(k * 16, 16)] = (
                    vsl[pl.ds(k * 16, 16)] * ainv[pl.ds(k * 16, 16)])
                return carry

            lax.fori_loop(0, _SLICE // _LN, uk, 0)
            pltpu.sync_copy(usl, u_sh.at[pl.ds(base, _SLICE)])
            plsc.subcore_barrier()

            pltpu.sync_copy(u_sh.at[cols_v], ev)
            pltpu.sync_copy(ev, mv_sh.at[rows_v], add=True)
            plsc.subcore_barrier()

            pltpu.sync_copy(mv_sh.at[pl.ds(base, _SLICE)], msl)
            pltpu.sync_copy(zbuf, mv_sh.at[pl.ds(base, _SLICE)])

            def vk(k, errv):
                vn = msl[pl.ds(k * 16, 16)] + addend[pl.ds(k * 16, 16)]
                errv = errv + jnp.abs(vn - vsl[pl.ds(k * 16, 16)])
                vsl[pl.ds(k * 16, 16)] = vn
                return errv

            errv = lax.fori_loop(
                0, _SLICE // _LN, vk, jnp.zeros((16,), jnp.float32))
            errw[...] = errv
            pltpu.sync_copy(errw, err_sh.at[s])
            plsc.subcore_barrier()

            pltpu.sync_copy(err_sh, errall)

            def sumk(k, acc):
                return acc + errall[k]

            tot = lax.fori_loop(
                0, _NSUB, sumk, jnp.zeros((16,), jnp.float32))
            total = np.float32(0.0)
            for j in range(_LN):
                total = total + tot[j]
            errw[...] = jnp.full((16,), np.float32(1.0)) * total

        return 0

    lax.fori_loop(0, _MAXIT, itbody, 0)

    @pl.when(c == jnp.int32(0))
    def _():
        pltpu.sync_copy(vsl, out_hbm.at[pl.ds(base, _SLICE)])


_pr_call = pl.kernel(
    _body,
    out_type=jax.ShapeDtypeStruct((_NP,), jnp.float32),
    mesh=plsc.VectorSubcoreMesh(
        core_axis_name="c", subcore_axis_name="s",
        num_cores=2, num_subcores=_NSUB),
    scratch_types=[
        pltpu.VMEM((_EPT,), jnp.int32),
        pltpu.VMEM((_EPT,), jnp.int32),
        pltpu.VMEM((_EPT,), jnp.float32),
        pltpu.VMEM((_SLICE,), jnp.float32),
        pltpu.VMEM((_SLICE,), jnp.float32),
        pltpu.VMEM((_SLICE,), jnp.float32),
        pltpu.VMEM((_SLICE,), jnp.float32),
        pltpu.VMEM((_SLICE,), jnp.float32),
        pltpu.VMEM((_SLICE,), jnp.float32),
        pltpu.VMEM((16,), jnp.float32),
        pltpu.VMEM((16, 16), jnp.float32),
        pltpu.VMEM_SHARED((_NP,), jnp.float32),
        pltpu.VMEM_SHARED((_NP,), jnp.float32),
        pltpu.VMEM_SHARED((16, 16), jnp.float32),
    ],
)


@jax.jit
def kernel(x, edge_index):
    del x
    out = _pr_call(edge_index[0], edge_index[1])
    return out[:_N]

# --- scband reference (transcript-rebuilt; emitter-appended) ---
"""Pipeline reference for scband-pagerank-16492674417135 (READ-ONLY COPY).

The authoritative reference and input builder live on the scoring server;
editing this copy changes nothing except your own understanding.
"""

import jax, jax.numpy as jnp
import numpy as np

N_NODES = 10000
N_EDGES = 320000
D_FEAT = 128


def setup_inputs(seed: int = 0) -> dict:
    key = jax.random.key(seed)
    k1, k2 = jax.random.split(key)
    x = jax.random.normal(k1, (N_NODES, D_FEAT), dtype=jnp.float32)
    edge_index = jax.random.randint(k2, (2, N_EDGES), 0, N_NODES, dtype=jnp.int32)
    return {"x": x, "edge_index": edge_index}


def reference(x, edge_index):
    alpha = 0.85
    max_iter = 100
    tol = 1e-06
    N = x.shape[0]
    rows = edge_index[0]
    cols = edge_index[1]
    # sparse stochastic graph values: 1 / in-count of each column, gathered per edge
    deg = jnp.bincount(cols, length=N)
    values_per_node = (1.0 / deg.astype(jnp.float32))[cols]
    vals = values_per_node * alpha  # M = alpha * S, stored as COO values
    p = jnp.full((N,), 1.0 / N, dtype=jnp.float32)
    v0 = jnp.full((N,), 1.0 / N, dtype=jnp.float32)

    def body(carry, _):
        v, done = carry
        # (M @ v)[r] = sum_e vals[e] * v[cols[e]] scattered to rows[e]
        mv = jax.ops.segment_sum(vals * v[cols], rows, num_segments=N)
        v_new = mv + p * (1.0 - alpha)
        err = jnp.abs(v_new - v).sum()
        new_done = done | (err < N * tol)
        v_out = jnp.where(done, v, v_new)  # early-exit semantics: freeze after convergence
        return (v_out, new_done), None

    (v, _), _ = jax.lax.scan(body, (v0, jnp.array(False)), None, length=max_iter)
    return v


if False:  # reference __main__ guard neutralized (emitter)
    inp = setup_inputs()
    out = reference(**inp)
    print(out.shape, out.dtype, float(out.sum()))

if __name__ == "__main__":
    import jax
    _d = setup_inputs()
    print(jax.jit(kernel)(*tuple(_d.values())))

</pallas_src>

<mosaic_0001>
#map = affine_map<(d0, d1) -> (0)>
module attributes {stable_mosaic.version = 14 : i64} {
  func.func @_body(%arg0: i32, %arg1: i32, %arg2: memref<320000xi32, #tpu.memory_space<hbm>>, %arg3: memref<320000xi32, #tpu.memory_space<hbm>>, %arg4: memref<10240xf32, #tpu.memory_space<hbm>>, %arg5: memref<20000xi32, #tpu.memory_space<vmem>>, %arg6: memref<20000xi32, #tpu.memory_space<vmem>>, %arg7: memref<20000xf32, #tpu.memory_space<vmem>>, %arg8: memref<640xf32, #tpu.memory_space<vmem>>, %arg9: memref<640xf32, #tpu.memory_space<vmem>>, %arg10: memref<640xf32, #tpu.memory_space<vmem>>, %arg11: memref<640xf32, #tpu.memory_space<vmem>>, %arg12: memref<640xf32, #tpu.memory_space<vmem>>, %arg13: memref<640xf32, #tpu.memory_space<vmem>>, %arg14: memref<16xf32, #tpu.memory_space<vmem>>, %arg15: memref<16x16xf32, #tpu.memory_space<vmem>>, %arg16: memref<10240xf32, #tpu.memory_space<vmem_shared>>, %arg17: memref<10240xf32, #tpu.memory_space<vmem_shared>>, %arg18: memref<16x16xf32, #tpu.memory_space<vmem_shared>>) attributes {dimension_semantics = [#tpu.dimension_semantics<core_parallel>, #tpu.dimension_semantics<subcore_parallel>], iteration_bounds = array<i64: 2, 16>, scalar_prefetch = 0 : i64, scratch_operands = 14 : i64, tpu.core_type = #tpu.core_type<sc_vector_subcore>, window_params = [{transform_indices = #map}, {transform_indices = #map}, {transform_indices = #map}]} {
    %mul3A = arith.constant 640 : i32
    %mul3A_0 = arith.muli %arg1, %mul3A : i32
    %mul3A_1 = arith.constant 20000 : i32
    %mul3A_2 = arith.muli %arg1, %mul3A_1 : i32
    "tpu.region"() ({
      %run_scoped3A = tpu.sem_alloc : memref<!tpu.dma_semaphore, #tpu.memory_space<semaphore_mem>>
      %dma_start3A = tpu.memref_slice %arg2[%mul3A_2] : memref<320000xi32, #tpu.memory_space<hbm>> -> memref<20000xi32, #tpu.memory_space<hbm>>
      %dma_start3A_34 = tpu.memref_slice %arg2[%mul3A_2] : memref<320000xi32, #tpu.memory_space<hbm>> -> memref<20000xi32, #tpu.memory_space<hbm>>
      tpu.enqueue_dma source(%dma_start3A_34 : memref<20000xi32, #tpu.memory_space<hbm>>) target(%arg5 : memref<20000xi32, #tpu.memory_space<vmem>>) target_semaphore(%run_scoped3A : memref<!tpu.dma_semaphore, #tpu.memory_space<semaphore_mem>>)
      %dma_wait3A = tpu.memref_slice %arg2[%mul3A_2] : memref<320000xi32, #tpu.memory_space<hbm>> -> memref<20000xi32, #tpu.memory_space<hbm>>
      %dma_wait3A_35 = tpu.memref_slice %arg2[%mul3A_2] : memref<320000xi32, #tpu.memory_space<hbm>> -> memref<20000xi32, #tpu.memory_space<hbm>>
      tpu.wait_dma2 semaphore(%run_scoped3A : memref<!tpu.dma_semaphore, #tpu.memory_space<semaphore_mem>>) src(%dma_wait3A_35 : memref<20000xi32, #tpu.memory_space<hbm>>) dst(%arg5 : memref<20000xi32, #tpu.memory_space<vmem>>)
      tpu.yield
    }) : () -> ()
    "tpu.region"() ({
      %run_scoped3A = tpu.sem_alloc : memref<!tpu.dma_semaphore, #tpu.memory_space<semaphore_mem>>
      %dma_start3A = tpu.memref_slice %arg3[%mul3A_2] : memref<320000xi32, #tpu.memory_space<hbm>> -> memref<20000xi32, #tpu.memory_space<hbm>>
      %dma_start3A_34 = tpu.memref_slice %arg3[%mul3A_2] : memref<320000xi32, #tpu.memory_space<hbm>> -> memref<20000xi32, #tpu.memory_space<hbm>>
      tpu.enqueue_dma source(%dma_start3A_34 : memref<20000xi32, #tpu.memory_space<hbm>>) target(%arg6 : memref<20000xi32, #tpu.memory_space<vmem>>) target_semaphore(%run_scoped3A : memref<!tpu.dma_semaphore, #tpu.memory_space<semaphore_mem>>)
      %dma_wait3A = tpu.memref_slice %arg3[%mul3A_2] : memref<320000xi32, #tpu.memory_space<hbm>> -> memref<20000xi32, #tpu.memory_space<hbm>>
      %dma_wait3A_35 = tpu.memref_slice %arg3[%mul3A_2] : memref<320000xi32, #tpu.memory_space<hbm>> -> memref<20000xi32, #tpu.memory_space<hbm>>
      tpu.wait_dma2 semaphore(%run_scoped3A : memref<!tpu.dma_semaphore, #tpu.memory_space<semaphore_mem>>) src(%dma_wait3A_35 : memref<20000xi32, #tpu.memory_space<hbm>>) dst(%arg6 : memref<20000xi32, #tpu.memory_space<vmem>>)
      tpu.yield
    }) : () -> ()
    %iota3A = tpu.iota {dimensions = array<i32: 0>} : vector<16xi32>
    %scan3A = arith.constant 0 : i32
    %scan3A_3 = arith.constant 0 : i32
    %scan3A_4 = arith.constant 40 : i32
    %scan3A_5 = arith.addi %scan3A_3, %scan3A_4 : i32
    %scan3A_6 = arith.constant 1 : i32
    scf.for %scan3A_34 = %scan3A_3 to %scan3A_5 step %scan3A_6  : i32 {
      %mul3A_35 = arith.constant 16 : i32
      %mul3A_36 = arith.muli %scan3A_34, %mul3A_35 : i32
      %add3A = arith.addi %mul3A_0, %mul3A_36 : i32
      %add3A_37 = vector.broadcast %add3A : i32 to vector<16xi32>
      %add3A_38 = arith.addi %add3A_37, %iota3A : vector<16xi32>
      %lt3A = arith.constant 10000 : i32
      %lt3A_39 = vector.broadcast %lt3A : i32 to vector<16xi32>
      %lt3A_40 = arith.cmpi slt, %add3A_38, %lt3A_39 : vector<16xi32>
      %jit3A = arith.constant 9.99999974E-5 : f32
      %jit3A_41 = arith.constant 0.000000e+00 : f32
      %broadcast_in_dim3A_42 = vector.broadcast %jit3A : f32 to vector<16xf32>
      %broadcast_in_dim3A_43 = vector.broadcast %jit3A_41 : f32 to vector<16xf32>
      %select_n3A = arith.select %lt3A_40, %broadcast_in_dim3A_42, %broadcast_in_dim3A_43 : vector<16xi1>, vector<16xf32>
      %mul3A_44 = arith.constant 16 : i32
      %mul3A_45 = arith.muli %scan3A_34, %mul3A_44 : i32
      %swap3A_46 = arith.index_cast %mul3A_45 : i32 to index
      %swap3A_47 = tpu.vector_load %arg8[%swap3A_46] {strides = array<i32>} : memref<640xf32, #tpu.memory_space<vmem>>, vector<16xf32>,
      %swap3A_48 = vector.shape_cast %swap3A_47 : vector<16xf32> to vector<16xf32>
      %swap3A_49 = vector.shape_cast %select_n3A : vector<16xf32> to vector<16xf32>
      tpu.vector_store %arg8[%swap3A_46], %swap3A_49 {strides = array<i32>} : memref<640xf32, #tpu.memory_space<vmem>>, vector<16xf32>,
      %jit3A_50 = arith.constant 1.50000005E-5 : f32
      %jit3A_51 = arith.constant 0.000000e+00 : f32
      %broadcast_in_dim3A_52 = vector.broadcast %jit3A_50 : f32 to vector<16xf32>
      %broadcast_in_dim3A_53 = vector.broadcast %jit3A_51 : f32 to vector<16xf32>
      %select_n3A_54 = arith.select %lt3A_40, %broadcast_in_dim3A_52, %broadcast_in_dim3A_53 : vector<16xi1>, vector<16xf32>
      %mul3A_55 = arith.constant 16 : i32
      %mul3A_56 = arith.muli %scan3A_34, %mul3A_55 : i32
      %swap3A_57 = arith.index_cast %mul3A_56 : i32 to index
      %swap3A_58 = tpu.vector_load %arg12[%swap3A_57] {strides = array<i32>} : memref<640xf32, #tpu.memory_space<vmem>>, vector<16xf32>,
      %swap3A_59 = vector.shape_cast %swap3A_58 : vector<16xf32> to vector<16xf32>
      %swap3A_60 = vector.shape_cast %select_n3A_54 : vector<16xf32> to vector<16xf32>
      tpu.vector_store %arg12[%swap3A_57], %swap3A_60 {strides = array<i32>} : memref<640xf32, #tpu.memory_space<vmem>>, vector<16xf32>,
      %broadcast_in_dim3A_61 = arith.constant 0.000000e+00 : f32
      %broadcast_in_dim3A_62 = vector.broadcast %broadcast_in_dim3A_61 : f32 to vector<16xf32>
      %mul3A_63 = arith.constant 16 : i32
      %mul3A_64 = arith.muli %scan3A_34, %mul3A_63 : i32
      %swap3A_65 = arith.index_cast %mul3A_64 : i32 to index
      %swap3A_66 = tpu.vector_load %arg13[%swap3A_65] {strides = array<i32>} : memref<640xf32, #tpu.memory_space<vmem>>, vector<16xf32>,
      %swap3A_67 = vector.shape_cast %swap3A_66 : vector<16xf32> to vector<16xf32>
      %swap3A_68 = vector.shape_cast %broadcast_in_dim3A_62 : vector<16xf32> to vector<16xf32>
      tpu.vector_store %arg13[%swap3A_65], %swap3A_68 {strides = array<i32>} : memref<640xf32, #tpu.memory_space<vmem>>, vector<16xf32>,
    }
    %scan3A_7 = arith.constant 40 : i32
    %scan3A_8 = arith.constant 0 : i32
    %scan3A_9 = arith.constant 0 : i32
    %scan3A_10 = arith.constant 1250 : i32
    %scan3A_11 = arith.addi %scan3A_9, %scan3A_10 : i32
    %scan3A_12 = arith.constant 1 : i32
    scf.for %scan3A_34 = %scan3A_9 to %scan3A_11 step %scan3A_12  : i32 {
      %broadcast_in_dim3A_35 = arith.constant 1.000000e+00 : f32
      %broadcast_in_dim3A_36 = vector.broadcast %broadcast_in_dim3A_35 : f32 to vector<16xf32>
      %mul3A_37 = arith.constant 16 : i32
      %mul3A_38 = arith.muli %scan3A_34, %mul3A_37 : i32
      %swap3A_39 = arith.index_cast %mul3A_38 : i32 to index
      %swap3A_40 = tpu.vector_load %arg7[%swap3A_39] {strides = array<i32>} : memref<20000xf32, #tpu.memory_space<vmem>>, vector<16xf32>,
      %swap3A_41 = vector.shape_cast %swap3A_40 : vector<16xf32> to vector<16xf32>
      %swap3A_42 = vector.shape_cast %broadcast_in_dim3A_36 : vector<16xf32> to vector<16xf32>
      tpu.vector_store %arg7[%swap3A_39], %swap3A_42 {strides = array<i32>} : memref<20000xf32, #tpu.memory_space<vmem>>, vector<16xf32>,
    }
    %scan3A_13 = arith.constant 1250 : i32
    "tpu.region"() ({
      %run_scoped3A = tpu.sem_alloc : memref<!tpu.dma_semaphore, #tpu.memory_space<semaphore_mem>>
      %dma_start3A = tpu.memref_slice %arg17[%mul3A_0] : memref<10240xf32, #tpu.memory_space<vmem_shared>> -> memref<640xf32, #tpu.memory_space<vmem_shared>>
      %dma_start3A_34 = tpu.memref_slice %arg17[%mul3A_0] : memref<10240xf32, #tpu.memory_space<vmem_shared>> -> memref<640xf32, #tpu.memory_space<vmem_shared>>
      tpu.enqueue_dma source(%arg13 : memref<640xf32, #tpu.memory_space<vmem>>) target(%dma_start3A_34 : memref<640xf32, #tpu.memory_space<vmem_shared>>) target_semaphore(%run_scoped3A : memref<!tpu.dma_semaphore, #tpu.memory_space<semaphore_mem>>)
      %dma_wait3A = tpu.memref_slice %arg17[%mul3A_0] : memref<10240xf32, #tpu.memory_space<vmem_shared>> -> memref<640xf32, #tpu.memory_space<vmem_shared>>
      %dma_wait3A_35 = tpu.memref_slice %arg17[%mul3A_0] : memref<10240xf32, #tpu.memory_space<vmem_shared>> -> memref<640xf32, #tpu.memory_space<vmem_shared>>
      tpu.wait_dma2 semaphore(%run_scoped3A : memref<!tpu.dma_semaphore, #tpu.memory_space<semaphore_mem>>) src(%arg13 : memref<640xf32, #tpu.memory_space<vmem>>) dst(%dma_wait3A_35 : memref<640xf32, #tpu.memory_space<vmem_shared>>)
      tpu.yield
    }) : () -> ()
    %barrier3A = arith.constant 0 : index
    tpu.barrier barrier_id(%barrier3A)
    "tpu.region"() ({
      %run_scoped3A = tpu.sem_alloc : memref<!tpu.dma_semaphore, #tpu.memory_space<semaphore_mem>>
      %dma_start3A = arith.constant 0 : i32
      %dma_start3A_34 = tpu.memref_slice %arg17[%dma_start3A] : memref<10240xf32, #tpu.memory_space<vmem_shared>> -> memref<10240xf32, #tpu.memory_space<vmem_shared>>
      tpu.enqueue_indirect_dma source(%arg7 : memref<20000xf32, #tpu.memory_space<vmem>>) target(%dma_start3A_34 : memref<10240xf32, #tpu.memory_space<vmem_shared>>) offsets(%arg6 : memref<20000xi32, #tpu.memory_space<vmem>>) semaphore(%run_scoped3A : memref<!tpu.dma_semaphore, #tpu.memory_space<semaphore_mem>>) {add = true}
      %dma_wait3A = arith.constant 0 : i32
      %dma_wait3A_35 = tpu.memref_slice %arg17[%dma_wait3A] : memref<10240xf32, #tpu.memory_space<vmem_shared>> -> memref<10240xf32, #tpu.memory_space<vmem_shared>>
      tpu.wait_indirect_dma semaphore(%run_scoped3A : memref<!tpu.dma_semaphore, #tpu.memory_space<semaphore_mem>>) src(%arg7 : memref<20000xf32, #tpu.memory_space<vmem>>) dst(%dma_wait3A_35 : memref<10240xf32, #tpu.memory_space<vmem_shared>>)
      tpu.yield
    }) : () -> ()
    %barrier3A_14 = arith.constant 0 : index
    tpu.barrier barrier_id(%barrier3A_14)
    "tpu.region"() ({
      %run_scoped3A = tpu.sem_alloc : memref<!tpu.dma_semaphore, #tpu.memory_space<semaphore_mem>>
      %dma_start3A = tpu.memref_slice %arg17[%mul3A_0] : memref<10240xf32, #tpu.memory_space<vmem_shared>> -> memref<640xf32, #tpu.memory_space<vmem_shared>>
      %dma_start3A_34 = tpu.memref_slice %arg17[%mul3A_0] : memref<10240xf32, #tpu.memory_space<vmem_shared>> -> memref<640xf32, #tpu.memory_space<vmem_shared>>
      tpu.enqueue_dma source(%dma_start3A_34 : memref<640xf32, #tpu.memory_space<vmem_shared>>) target(%arg10 : memref<640xf32, #tpu.memory_space<vmem>>) target_semaphore(%run_scoped3A : memref<!tpu.dma_semaphore, #tpu.memory_space<semaphore_mem>>)
      %dma_wait3A = tpu.memref_slice %arg17[%mul3A_0] : memref<10240xf32, #tpu.memory_space<vmem_shared>> -> memref<640xf32, #tpu.memory_space<vmem_shared>>
      %dma_wait3A_35 = tpu.memref_slice %arg17[%mul3A_0] : memref<10240xf32, #tpu.memory_space<vmem_shared>> -> memref<640xf32, #tpu.memory_space<vmem_shared>>
      tpu.wait_dma2 semaphore(%run_scoped3A : memref<!tpu.dma_semaphore, #tpu.memory_space<semaphore_mem>>) src(%dma_wait3A_35 : memref<640xf32, #tpu.memory_space<vmem_shared>>) dst(%arg10 : memref<640xf32, #tpu.memory_space<vmem>>)
      tpu.yield
    }) : () -> ()
    "tpu.region"() ({
      %run_scoped3A = tpu.sem_alloc : memref<!tpu.dma_semaphore, #tpu.memory_space<semaphore_mem>>
      %dma_start3A = tpu.memref_slice %arg17[%mul3A_0] : memref<10240xf32, #tpu.memory_space<vmem_shared>> -> memref<640xf32, #tpu.memory_space<vmem_shared>>
      %dma_start3A_34 = tpu.memref_slice %arg17[%mul3A_0] : memref<10240xf32, #tpu.memory_space<vmem_shared>> -> memref<640xf32, #tpu.memory_space<vmem_shared>>
      tpu.enqueue_dma source(%arg13 : memref<640xf32, #tpu.memory_space<vmem>>) target(%dma_start3A_34 : memref<640xf32, #tpu.memory_space<vmem_shared>>) target_semaphore(%run_scoped3A : memref<!tpu.dma_semaphore, #tpu.memory_space<semaphore_mem>>)
      %dma_wait3A = tpu.memref_slice %arg17[%mul3A_0] : memref<10240xf32, #tpu.memory_space<vmem_shared>> -> memref<640xf32, #tpu.memory_space<vmem_shared>>
      %dma_wait3A_35 = tpu.memref_slice %arg17[%mul3A_0] : memref<10240xf32, #tpu.memory_space<vmem_shared>> -> memref<640xf32, #tpu.memory_space<vmem_shared>>
      tpu.wait_dma2 semaphore(%run_scoped3A : memref<!tpu.dma_semaphore, #tpu.memory_space<semaphore_mem>>) src(%arg13 : memref<640xf32, #tpu.memory_space<vmem>>) dst(%dma_wait3A_35 : memref<640xf32, #tpu.memory_space<vmem_shared>>)
      tpu.yield
    }) : () -> ()
    %scan3A_15 = arith.constant 0 : i32
    %scan3A_16 = arith.constant 0 : i32
    %scan3A_17 = arith.constant 40 : i32
    %scan3A_18 = arith.addi %scan3A_16, %scan3A_17 : i32
    %scan3A_19 = arith.constant 1 : i32
    scf.for %scan3A_34 = %scan3A_16 to %scan3A_18 step %scan3A_19  : i32 {
      %mul3A_35 = arith.constant 16 : i32
      %mul3A_36 = arith.muli %scan3A_34, %mul3A_35 : i32
      %get3A = arith.index_cast %mul3A_36 : i32 to index
      %get3A_37 = tpu.vector_load %arg10[%get3A] {strides = array<i32>} : memref<640xf32, #tpu.memory_space<vmem>>, vector<16xf32>,
      %get3A_38 = vector.shape_cast %get3A_37 : vector<16xf32> to vector<16xf32>
      %gt3A = arith.constant 0.000000e+00 : f32
      %gt3A_39 = vector.broadcast %gt3A : f32 to vector<16xf32>
      %gt3A_40 = arith.cmpf ogt, %get3A_38, %gt3A_39 : vector<16xf32>
      %div3A = arith.constant 8.500000e-01 : f32
      %div3A_41 = vector.broadcast %div3A : f32 to vector<16xf32>
      %div3A_42 = arith.divf %div3A_41, %get3A_38 : vector<16xf32>
      %jit3A = arith.constant 0.000000e+00 : f32
      %broadcast_in_dim3A_43 = vector.broadcast %jit3A : f32 to vector<16xf32>
      %select_n3A = arith.select %gt3A_40, %div3A_42, %broadcast_in_dim3A_43 : vector<16xi1>, vector<16xf32>
      %mul3A_44 = arith.constant 16 : i32
      %mul3A_45 = arith.muli %scan3A_34, %mul3A_44 : i32
      %swap3A_46 = arith.index_cast %mul3A_45 : i32 to index
      %swap3A_47 = tpu.vector_load %arg11[%swap3A_46] {strides = array<i32>} : memref<640xf32, #tpu.memory_space<vmem>>, vector<16xf32>,
      %swap3A_48 = vector.shape_cast %swap3A_47 : vector<16xf32> to vector<16xf32>
      %swap3A_49 = vector.shape_cast %select_n3A : vector<16xf32> to vector<16xf32>
      tpu.vector_store %arg11[%swap3A_46], %swap3A_49 {strides = array<i32>} : memref<640xf32, #tpu.memory_space<vmem>>, vector<16xf32>,
    }
    %scan3A_20 = arith.constant 40 : i32
    %broadcast_in_dim3A = arith.constant 1.000000e+00 : f32
    %broadcast_in_dim3A_21 = vector.broadcast %broadcast_in_dim3A : f32 to vector<16xf32>
    %swap3A = arith.constant 0 : index
    %swap3A_22 = tpu.vector_load %arg14[%swap3A] {strides = array<i32>} : memref<16xf32, #tpu.memory_space<vmem>>, vector<16xf32>,
    %swap3A_23 = vector.shape_cast %swap3A_22 : vector<16xf32> to vector<16xf32>
    %swap3A_24 = vector.shape_cast %broadcast_in_dim3A_21 : vector<16xf32> to vector<16xf32>
    tpu.vector_store %arg14[%swap3A], %swap3A_24 {strides = array<i32>} : memref<16xf32, #tpu.memory_space<vmem>>, vector<16xf32>,
    %scan3A_25 = arith.constant 0 : i32
    %scan3A_26 = arith.constant 0 : i32
    %scan3A_27 = arith.constant 100 : i32
    %scan3A_28 = arith.addi %scan3A_26, %scan3A_27 : i32
    %scan3A_29 = arith.constant 1 : i32
    %scan3A_30 = scf.for %scan3A_34 = %scan3A_26 to %scan3A_28 step %scan3A_29 iter_args(%scan3A_35 = %scan3A_25) -> (i32)  : i32 {
      %get3A = arith.constant 0 : index
      %get3A_36 = tpu.vector_load %arg14[%get3A] {strides = array<i32>} : memref<16xf32, #tpu.memory_space<vmem>>, vector<16xf32>,
      %get3A_37 = vector.shape_cast %get3A_36 : vector<16xf32> to vector<16xf32>
      %slice3A = vector.extract_strided_slice %get3A_37 {offsets = [0], sizes = [1], strides = [1]} : vector<16xf32> to vector<1xf32>
      %squeeze3A = vector.extract %slice3A[0] : f32 from vector<1xf32>
      %lt3A = arith.constant 0.00999999977 : f32
      %lt3A_38 = arith.cmpf olt, %squeeze3A, %lt3A : f32
      %not3A = arith.constant true
      %not3A_39 = arith.xori %lt3A_38, %not3A : i1
      %convert_element_type3A_40 = arith.extui %not3A_39 : i1 to i32
      %cond3A_41 = arith.constant 0 : i32
      %cond3A_42 = arith.cmpi ne, %convert_element_type3A_40, %cond3A_41 : i32
      scf.if %cond3A_42 {
        %scan3A_44 = arith.constant 0 : i32
        %scan3A_45 = arith.constant 0 : i32
        %scan3A_46 = arith.constant 40 : i32
        %scan3A_47 = arith.addi %scan3A_45, %scan3A_46 : i32
        %scan3A_48 = arith.constant 1 : i32
        scf.for %scan3A_129 = %scan3A_45 to %scan3A_47 step %scan3A_48  : i32 {
          %mul3A_130 = arith.constant 16 : i32
          %mul3A_131 = arith.muli %scan3A_129, %mul3A_130 : i32
          %get3A_132 = arith.index_cast %mul3A_131 : i32 to index
          %get3A_133 = tpu.vector_load %arg8[%get3A_132] {strides = array<i32>} : memref<640xf32, #tpu.memory_space<vmem>>, vector<16xf32>,
          %get3A_134 = vector.shape_cast %get3A_133 : vector<16xf32> to vector<16xf32>
          %mul3A_135 = arith.constant 16 : i32
          %mul3A_136 = arith.muli %scan3A_129, %mul3A_135 : i32
          %get3A_137 = arith.index_cast %mul3A_136 : i32 to index
          %get3A_138 = tpu.vector_load %arg11[%get3A_137] {strides = array<i32>} : memref<640xf32, #tpu.memory_space<vmem>>, vector<16xf32>,
          %get3A_139 = vector.shape_cast %get3A_138 : vector<16xf32> to vector<16xf32>
          %mul3A_140 = arith.mulf %get3A_134, %get3A_139 : vector<16xf32>
          %mul3A_141 = arith.constant 16 : i32
          %mul3A_142 = arith.muli %scan3A_129, %mul3A_141 : i32
          %swap3A_143 = arith.index_cast %mul3A_142 : i32 to index
          %swap3A_144 = tpu.vector_load %arg9[%swap3A_143] {strides = array<i32>} : memref<640xf32, #tpu.memory_space<vmem>>, vector<16xf32>,
          %swap3A_145 = vector.shape_cast %swap3A_144 : vector<16xf32> to vector<16xf32>
          %swap3A_146 = vector.shape_cast %mul3A_140 : vector<16xf32> to vector<16xf32>
          tpu.vector_store %arg9[%swap3A_143], %swap3A_146 {strides = array<i32>} : memref<640xf32, #tpu.memory_space<vmem>>, vector<16xf32>,
        }
        %scan3A_49 = arith.constant 40 : i32
        "tpu.region"() ({
          %run_scoped3A = tpu.sem_alloc : memref<!tpu.dma_semaphore, #tpu.memory_space<semaphore_mem>>
          %dma_start3A = tpu.memref_slice %arg16[%mul3A_0] : memref<10240xf32, #tpu.memory_space<vmem_shared>> -> memref<640xf32, #tpu.memory_space<vmem_shared>>
          %dma_start3A_129 = tpu.memref_slice %arg16[%mul3A_0] : memref<10240xf32, #tpu.memory_space<vmem_shared>> -> memref<640xf32, #tpu.memory_space<vmem_shared>>
          tpu.enqueue_dma source(%arg9 : memref<640xf32, #tpu.memory_space<vmem>>) target(%dma_start3A_129 : memref<640xf32, #tpu.memory_space<vmem_shared>>) target_semaphore(%run_scoped3A : memref<!tpu.dma_semaphore, #tpu.memory_space<semaphore_mem>>)
          %dma_wait3A = tpu.memref_slice %arg16[%mul3A_0] : memref<10240xf32, #tpu.memory_space<vmem_shared>> -> memref<640xf32, #tpu.memory_space<vmem_shared>>
          %dma_wait3A_130 = tpu.memref_slice %arg16[%mul3A_0] : memref<10240xf32, #tpu.memory_space<vmem_shared>> -> memref<640xf32, #tpu.memory_space<vmem_shared>>
          tpu.wait_dma2 semaphore(%run_scoped3A : memref<!tpu.dma_semaphore, #tpu.memory_space<semaphore_mem>>) src(%arg9 : memref<640xf32, #tpu.memory_space<vmem>>) dst(%dma_wait3A_130 : memref<640xf32, #tpu.memory_space<vmem_shared>>)
          tpu.yield
        }) : () -> ()
        %barrier3A_50 = arith.constant 0 : index
        tpu.barrier barrier_id(%barrier3A_50)
        "tpu.region"() ({
          %run_scoped3A = tpu.sem_alloc : memref<!tpu.dma_semaphore, #tpu.memory_space<semaphore_mem>>
          %dma_start3A = arith.constant 0 : i32
          %dma_start3A_129 = tpu.memref_slice %arg16[%dma_start3A] : memref<10240xf32, #tpu.memory_space<vmem_shared>> -> memref<10240xf32, #tpu.memory_space<vmem_shared>>
          tpu.enqueue_indirect_dma source(%dma_start3A_129 : memref<10240xf32, #tpu.memory_space<vmem_shared>>) target(%arg7 : memref<20000xf32, #tpu.memory_space<vmem>>) offsets(%arg6 : memref<20000xi32, #tpu.memory_space<vmem>>) semaphore(%run_scoped3A : memref<!tpu.dma_semaphore, #tpu.memory_space<semaphore_mem>>)
          %dma_wait3A = arith.constant 0 : i32
          %dma_wait3A_130 = tpu.memref_slice %arg16[%dma_wait3A] : memref<10240xf32, #tpu.memory_space<vmem_shared>> -> memref<10240xf32, #tpu.memory_space<vmem_shared>>
          tpu.wait_indirect_dma semaphore(%run_scoped3A : memref<!tpu.dma_semaphore, #tpu.memory_space<semaphore_mem>>) src(%dma_wait3A_130 : memref<10240xf32, #tpu.memory_space<vmem_shared>>) dst(%arg7 : memref<20000xf32, #tpu.memory_space<vmem>>)
          tpu.yield
        }) : () -> ()
        "tpu.region"() ({
          %run_scoped3A = tpu.sem_alloc : memref<!tpu.dma_semaphore, #tpu.memory_space<semaphore_mem>>
          %dma_start3A = arith.constant 0 : i32
          %dma_start3A_129 = tpu.memref_slice %arg17[%dma_start3A] : memref<10240xf32, #tpu.memory_space<vmem_shared>> -> memref<10240xf32, #tpu.memory_space<vmem_shared>>
          tpu.enqueue_indirect_dma source(%arg7 : memref<20000xf32, #tpu.memory_space<vmem>>) target(%dma_start3A_129 : memref<10240xf32, #tpu.memory_space<vmem_shared>>) offsets(%arg5 : memref<20000xi32, #tpu.memory_space<vmem>>) semaphore(%run_scoped3A : memref<!tpu.dma_semaphore, #tpu.memory_space<semaphore_mem>>) {add = true}
          %dma_wait3A = arith.constant 0 : i32
          %dma_wait3A_130 = tpu.memref_slice %arg17[%dma_wait3A] : memref<10240xf32, #tpu.memory_space<vmem_shared>> -> memref<10240xf32, #tpu.memory_space<vmem_shared>>
          tpu.wait_indirect_dma semaphore(%run_scoped3A : memref<!tpu.dma_semaphore, #tpu.memory_space<semaphore_mem>>) src(%arg7 : memref<20000xf32, #tpu.memory_space<vmem>>) dst(%dma_wait3A_130 : memref<10240xf32, #tpu.memory_space<vmem_shared>>)
          tpu.yield
        }) : () -> ()
        %barrier3A_51 = arith.constant 0 : index
        tpu.barrier barrier_id(%barrier3A_51)
        "tpu.region"() ({
          %run_scoped3A = tpu.sem_alloc : memref<!tpu.dma_semaphore, #tpu.memory_space<semaphore_mem>>
          %dma_start3A = tpu.memref_slice %arg17[%mul3A_0] : memref<10240xf32, #tpu.memory_space<vmem_shared>> -> memref<640xf32, #tpu.memory_space<vmem_shared>>
          %dma_start3A_129 = tpu.memref_slice %arg17[%mul3A_0] : memref<10240xf32, #tpu.memory_space<vmem_shared>> -> memref<640xf32, #tpu.memory_space<vmem_shared>>
          tpu.enqueue_dma source(%dma_start3A_129 : memref<640xf32, #tpu.memory_space<vmem_shared>>) target(%arg10 : memref<640xf32, #tpu.memory_space<vmem>>) target_semaphore(%run_scoped3A : memref<!tpu.dma_semaphore, #tpu.memory_space<semaphore_mem>>)
          %dma_wait3A = tpu.memref_slice %arg17[%mul3A_0] : memref<10240xf32, #tpu.memory_space<vmem_shared>> -> memref<640xf32, #tpu.memory_space<vmem_shared>>
          %dma_wait3A_130 = tpu.memref_slice %arg17[%mul3A_0] : memref<10240xf32, #tpu.memory_space<vmem_shared>> -> memref<640xf32, #tpu.memory_space<vmem_shared>>
          tpu.wait_dma2 semaphore(%run_scoped3A : memref<!tpu.dma_semaphore, #tpu.memory_space<semaphore_mem>>) src(%dma_wait3A_130 : memref<640xf32, #tpu.memory_space<vmem_shared>>) dst(%arg10 : memref<640xf32, #tpu.memory_space<vmem>>)
          tpu.yield
        }) : () -> ()
        "tpu.region"() ({
          %run_scoped3A = tpu.sem_alloc : memref<!tpu.dma_semaphore, #tpu.memory_space<semaphore_mem>>
          %dma_start3A = tpu.memref_slice %arg17[%mul3A_0] : memref<10240xf32, #tpu.memory_space<vmem_shared>> -> memref<640xf32, #tpu.memory_space<vmem_shared>>
          %dma_start3A_129 = tpu.memref_slice %arg17[%mul3A_0] : memref<10240xf32, #tpu.memory_space<vmem_shared>> -> memref<640xf32, #tpu.memory_space<vmem_shared>>
          tpu.enqueue_dma source(%arg13 : memref<640xf32, #tpu.memory_space<vmem>>) target(%dma_start3A_129 : memref<640xf32, #tpu.memory_space<vmem_shared>>) target_semaphore(%run_scoped3A : memref<!tpu.dma_semaphore, #tpu.memory_space<semaphore_mem>>)
          %dma_wait3A = tpu.memref_slice %arg17[%mul3A_0] : memref<10240xf32, #tpu.memory_space<vmem_shared>> -> memref<640xf32, #tpu.memory_space<vmem_shared>>
          %dma_wait3A_130 = tpu.memref_slice %arg17[%mul3A_0] : memref<10240xf32, #tpu.memory_space<vmem_shared>> -> memref<640xf32, #tpu.memory_space<vmem_shared>>
          tpu.wait_dma2 semaphore(%run_scoped3A : memref<!tpu.dma_semaphore, #tpu.memory_space<semaphore_mem>>) src(%arg13 : memref<640xf32, #tpu.memory_space<vmem>>) dst(%dma_wait3A_130 : memref<640xf32, #tpu.memory_space<vmem_shared>>)
          tpu.yield
        }) : () -> ()
        %broadcast_in_dim3A_52 = arith.constant 0.000000e+00 : f32
        %broadcast_in_dim3A_53 = vector.broadcast %broadcast_in_dim3A_52 : f32 to vector<16xf32>
        %scan3A_54 = arith.constant 0 : i32
        %scan3A_55 = arith.constant 40 : i32
        %scan3A_56 = arith.addi %scan3A_54, %scan3A_55 : i32
        %scan3A_57 = arith.constant 1 : i32
        %scan3A_58 = scf.for %scan3A_129 = %scan3A_54 to %scan3A_56 step %scan3A_57 iter_args(%scan3A_130 = %broadcast_in_dim3A_53) -> (vector<16xf32>)  : i32 {
          %mul3A_131 = arith.constant 16 : i32
          %mul3A_132 = arith.muli %scan3A_129, %mul3A_131 : i32
          %get3A_133 = arith.index_cast %mul3A_132 : i32 to index
          %get3A_134 = tpu.vector_load %arg10[%get3A_133] {strides = array<i32>} : memref<640xf32, #tpu.memory_space<vmem>>, vector<16xf32>,
          %get3A_135 = vector.shape_cast %get3A_134 : vector<16xf32> to vector<16xf32>
          %mul3A_136 = arith.constant 16 : i32
          %mul3A_137 = arith.muli %scan3A_129, %mul3A_136 : i32
          %get3A_138 = arith.index_cast %mul3A_137 : i32 to index
          %get3A_139 = tpu.vector_load %arg12[%get3A_138] {strides = array<i32>} : memref<640xf32, #tpu.memory_space<vmem>>, vector<16xf32>,
          %get3A_140 = vector.shape_cast %get3A_139 : vector<16xf32> to vector<16xf32>
          %add3A_141 = arith.addf %get3A_135, %get3A_140 : vector<16xf32>
          %mul3A_142 = arith.constant 16 : i32
          %mul3A_143 = arith.muli %scan3A_129, %mul3A_142 : i32
          %get3A_144 = arith.index_cast %mul3A_143 : i32 to index
          %get3A_145 = tpu.vector_load %arg8[%get3A_144] {strides = array<i32>} : memref<640xf32, #tpu.memory_space<vmem>>, vector<16xf32>,
          %get3A_146 = vector.shape_cast %get3A_145 : vector<16xf32> to vector<16xf32>
          %sub3A = arith.subf %add3A_141, %get3A_146 : vector<16xf32>
          %abs3A = math.absf %sub3A : vector<16xf32>
          %add3A_147 = arith.addf %scan3A_130, %abs3A : vector<16xf32>
          %mul3A_148 = arith.constant 16 : i32
          %mul3A_149 = arith.muli %scan3A_129, %mul3A_148 : i32
          %swap3A_150 = arith.index_cast %mul3A_149 : i32 to index
          %swap3A_151 = tpu.vector_load %arg8[%swap3A_150] {strides = array<i32>} : memref<640xf32, #tpu.memory_space<vmem>>, vector<16xf32>,
          %swap3A_152 = vector.shape_cast %swap3A_151 : vector<16xf32> to vector<16xf32>
          %swap3A_153 = vector.shape_cast %add3A_141 : vector<16xf32> to vector<16xf32>
          tpu.vector_store %arg8[%swap3A_150], %swap3A_153 {strides = array<i32>} : memref<640xf32, #tpu.memory_space<vmem>>, vector<16xf32>,
          scf.yield %add3A_147 : vector<16xf32>
        }
        %scan3A_59 = arith.constant 40 : i32
        %swap3A_60 = arith.constant 0 : index
        %swap3A_61 = tpu.vector_load %arg14[%swap3A_60] {strides = array<i32>} : memref<16xf32, #tpu.memory_space<vmem>>, vector<16xf32>,
        %swap3A_62 = vector.shape_cast %swap3A_61 : vector<16xf32> to vector<16xf32>
        %swap3A_63 = vector.shape_cast %scan3A_58 : vector<16xf32> to vector<16xf32>
        tpu.vector_store %arg14[%swap3A_60], %swap3A_63 {strides = array<i32>} : memref<16xf32, #tpu.memory_space<vmem>>, vector<16xf32>,
        "tpu.region"() ({
          %run_scoped3A = tpu.sem_alloc : memref<!tpu.dma_semaphore, #tpu.memory_space<semaphore_mem>>
          %dma_start3A = arith.constant 0 : i32
          %dma_start3A_129 = tpu.memref_slice %arg18[%arg1, %dma_start3A] : memref<16x16xf32, #tpu.memory_space<vmem_shared>> -> memref<1x16xf32, #tpu.memory_space<vmem_shared>>
          %dma_start3A_130 = tpu.memref_squeeze %dma_start3A_129 : memref<1x16xf32, #tpu.memory_space<vmem_shared>> -> memref<16xf32, #tpu.memory_space<vmem_shared>>
          %dma_start3A_131 = arith.constant 0 : i32
          %dma_start3A_132 = tpu.memref_slice %arg18[%arg1, %dma_start3A_131] : memref<16x16xf32, #tpu.memory_space<vmem_shared>> -> memref<1x16xf32, #tpu.memory_space<vmem_shared>>
          %dma_start3A_133 = tpu.memref_squeeze %dma_start3A_132 : memref<1x16xf32, #tpu.memory_space<vmem_shared>> -> memref<16xf32, #tpu.memory_space<vmem_shared>>
          tpu.enqueue_dma source(%arg14 : memref<16xf32, #tpu.memory_space<vmem>>) target(%dma_start3A_133 : memref<16xf32, #tpu.memory_space<vmem_shared>>) target_semaphore(%run_scoped3A : memref<!tpu.dma_semaphore, #tpu.memory_space<semaphore_mem>>)
          %dma_wait3A = arith.constant 0 : i32
          %dma_wait3A_134 = tpu.memref_slice %arg18[%arg1, %dma_wait3A] : memref<16x16xf32, #tpu.memory_space<vmem_shared>> -> memref<1x16xf32, #tpu.memory_space<vmem_shared>>
          %dma_wait3A_135 = tpu.memref_squeeze %dma_wait3A_134 : memref<1x16xf32, #tpu.memory_space<vmem_shared>> -> memref<16xf32, #tpu.memory_space<vmem_shared>>
          %dma_wait3A_136 = arith.constant 0 : i32
          %dma_wait3A_137 = tpu.memref_slice %arg18[%arg1, %dma_wait3A_136] : memref<16x16xf32, #tpu.memory_space<vmem_shared>> -> memref<1x16xf32, #tpu.memory_space<vmem_shared>>
          %dma_wait3A_138 = tpu.memref_squeeze %dma_wait3A_137 : memref<1x16xf32, #tpu.memory_space<vmem_shared>> -> memref<16xf32, #tpu.memory_space<vmem_shared>>
          tpu.wait_dma2 semaphore(%run_scoped3A : memref<!tpu.dma_semaphore, #tpu.memory_space<semaphore_mem>>) src(%arg14 : memref<16xf32, #tpu.memory_space<vmem>>) dst(%dma_wait3A_138 : memref<16xf32, #tpu.memory_space<vmem_shared>>)
          tpu.yield
        }) : () -> ()
        %barrier3A_64 = arith.constant 0 : index
        tpu.barrier barrier_id(%barrier3A_64)
        "tpu.region"() ({
          %run_scoped3A = tpu.sem_alloc : memref<!tpu.dma_semaphore, #tpu.memory_space<semaphore_mem>>
          tpu.enqueue_dma source(%arg18 : memref<16x16xf32, #tpu.memory_space<vmem_shared>>) target(%arg15 : memref<16x16xf32, #tpu.memory_space<vmem>>) target_semaphore(%run_scoped3A : memref<!tpu.dma_semaphore, #tpu.memory_space<semaphore_mem>>)
          tpu.wait_dma2 semaphore(%run_scoped3A : memref<!tpu.dma_semaphore, #tpu.memory_space<semaphore_mem>>) src(%arg18 : memref<16x16xf32, #tpu.memory_space<vmem_shared>>) dst(%arg15 : memref<16x16xf32, #tpu.memory_space<vmem>>)
          tpu.yield
        }) : () -> ()
        %broadcast_in_dim3A_65 = arith.constant 0.000000e+00 : f32
        %broadcast_in_dim3A_66 = vector.broadcast %broadcast_in_dim3A_65 : f32 to vector<16xf32>
        %scan3A_67 = arith.constant 0 : i32
        %scan3A_68 = arith.constant 16 : i32
        %scan3A_69 = arith.addi %scan3A_67, %scan3A_68 : i32
        %scan3A_70 = arith.constant 1 : i32
        %scan3A_71 = scf.for %scan3A_129 = %scan3A_67 to %scan3A_69 step %scan3A_70 iter_args(%scan3A_130 = %broadcast_in_dim3A_66) -> (vector<16xf32>)  : i32 {
          %get3A_131 = arith.index_cast %scan3A_129 : i32 to index
          %get3A_132 = arith.constant 0 : index
          %get3A_133 = tpu.vector_load %arg15[%get3A_131, %get3A_132] {strides = array<i32>} : memref<16x16xf32, #tpu.memory_space<vmem>>, vector<1x16xf32>,
          %get3A_134 = vector.shape_cast %get3A_133 : vector<1x16xf32> to vector<16xf32>
          %add3A_135 = arith.addf %scan3A_130, %get3A_134 : vector<16xf32>
          scf.yield %add3A_135 : vector<16xf32>
        }
        %scan3A_72 = arith.constant 16 : i32
        %slice3A_73 = vector.extract_strided_slice %scan3A_71 {offsets = [0], sizes = [1], strides = [1]} : vector<16xf32> to vector<1xf32>
        %squeeze3A_74 = vector.extract %slice3A_73[0] : f32 from vector<1xf32>
        %add3A = arith.constant 0.000000e+00 : f32
        %add3A_75 = arith.addf %add3A, %squeeze3A_74 : f32
        %slice3A_76 = vector.extract_strided_slice %scan3A_71 {offsets = [1], sizes = [1], strides = [1]} : vector<16xf32> to vector<1xf32>
        %squeeze3A_77 = vector.extract %slice3A_76[0] : f32 from vector<1xf32>
        %add3A_78 = arith.addf %add3A_75, %squeeze3A_77 : f32
        %slice3A_79 = vector.extract_strided_slice %scan3A_71 {offsets = [2], sizes = [1], strides = [1]} : vector<16xf32> to vector<1xf32>
        %squeeze3A_80 = vector.extract %slice3A_79[0] : f32 from vector<1xf32>
        %add3A_81 = arith.addf %add3A_78, %squeeze3A_80 : f32
        %slice3A_82 = vector.extract_strided_slice %scan3A_71 {offsets = [3], sizes = [1], strides = [1]} : vector<16xf32> to vector<1xf32>
        %squeeze3A_83 = vector.extract %slice3A_82[0] : f32 from vector<1xf32>
        %add3A_84 = arith.addf %add3A_81, %squeeze3A_83 : f32
        %slice3A_85 = vector.extract_strided_slice %scan3A_71 {offsets = [4], sizes = [1], strides = [1]} : vector<16xf32> to vector<1xf32>
        %squeeze3A_86 = vector.extract %slice3A_85[0] : f32 from vector<1xf32>
        %add3A_87 = arith.addf %add3A_84, %squeeze3A_86 : f32
        %slice3A_88 = vector.extract_strided_slice %scan3A_71 {offsets = [5], sizes = [1], strides = [1]} : vector<16xf32> to vector<1xf32>
        %squeeze3A_89 = vector.extract %slice3A_88[0] : f32 from vector<1xf32>
        %add3A_90 = arith.addf %add3A_87, %squeeze3A_89 : f32
        %slice3A_91 = vector.extract_strided_slice %scan3A_71 {offsets = [6], sizes = [1], strides = [1]} : vector<16xf32> to vector<1xf32>
        %squeeze3A_92 = vector.extract %slice3A_91[0] : f32 from vector<1xf32>
        %add3A_93 = arith.addf %add3A_90, %squeeze3A_92 : f32
        %slice3A_94 = vector.extract_strided_slice %scan3A_71 {offsets = [7], sizes = [1], strides = [1]} : vector<16xf32> to vector<1xf32>
        %squeeze3A_95 = vector.extract %slice3A_94[0] : f32 from vector<1xf32>
        %add3A_96 = arith.addf %add3A_93, %squeeze3A_95 : f32
        %slice3A_97 = vector.extract_strided_slice %scan3A_71 {offsets = [8], sizes = [1], strides = [1]} : vector<16xf32> to vector<1xf32>
        %squeeze3A_98 = vector.extract %slice3A_97[0] : f32 from vector<1xf32>
        %add3A_99 = arith.addf %add3A_96, %squeeze3A_98 : f32
        %slice3A_100 = vector.extract_strided_slice %scan3A_71 {offsets = [9], sizes = [1], strides = [1]} : vector<16xf32> to vector<1xf32>
        %squeeze3A_101 = vector.extract %slice3A_100[0] : f32 from vector<1xf32>
        %add3A_102 = arith.addf %add3A_99, %squeeze3A_101 : f32
        %slice3A_103 = vector.extract_strided_slice %scan3A_71 {offsets = [10], sizes = [1], strides = [1]} : vector<16xf32> to vector<1xf32>
        %squeeze3A_104 = vector.extract %slice3A_103[0] : f32 from vector<1xf32>
        %add3A_105 = arith.addf %add3A_102, %squeeze3A_104 : f32
        %slice3A_106 = vector.extract_strided_slice %scan3A_71 {offsets = [11], sizes = [1], strides = [1]} : vector<16xf32> to vector<1xf32>
        %squeeze3A_107 = vector.extract %slice3A_106[0] : f32 from vector<1xf32>
        %add3A_108 = arith.addf %add3A_105, %squeeze3A_107 : f32
        %slice3A_109 = vector.extract_strided_slice %scan3A_71 {offsets = [12], sizes = [1], strides = [1]} : vector<16xf32> to vector<1xf32>
        %squeeze3A_110 = vector.extract %slice3A_109[0] : f32 from vector<1xf32>
        %add3A_111 = arith.addf %add3A_108, %squeeze3A_110 : f32
        %slice3A_112 = vector.extract_strided_slice %scan3A_71 {offsets = [13], sizes = [1], strides = [1]} : vector<16xf32> to vector<1xf32>
        %squeeze3A_113 = vector.extract %slice3A_112[0] : f32 from vector<1xf32>
        %add3A_114 = arith.addf %add3A_111, %squeeze3A_113 : f32
        %slice3A_115 = vector.extract_strided_slice %scan3A_71 {offsets = [14], sizes = [1], strides = [1]} : vector<16xf32> to vector<1xf32>
        %squeeze3A_116 = vector.extract %slice3A_115[0] : f32 from vector<1xf32>
        %add3A_117 = arith.addf %add3A_114, %squeeze3A_116 : f32
        %slice3A_118 = vector.extract_strided_slice %scan3A_71 {offsets = [15], sizes = [1], strides = [1]} : vector<16xf32> to vector<1xf32>
        %squeeze3A_119 = vector.extract %slice3A_118[0] : f32 from vector<1xf32>
        %add3A_120 = arith.addf %add3A_117, %squeeze3A_119 : f32
        %broadcast_in_dim3A_121 = arith.constant 1.000000e+00 : f32
        %broadcast_in_dim3A_122 = vector.broadcast %broadcast_in_dim3A_121 : f32 to vector<16xf32>
        %mul3A_123 = vector.broadcast %add3A_120 : f32 to vector<16xf32>
        %mul3A_124 = arith.mulf %broadcast_in_dim3A_122, %mul3A_123 : vector<16xf32>
        %swap3A_125 = arith.constant 0 : index
        %swap3A_126 = tpu.vector_load %arg14[%swap3A_125] {strides = array<i32>} : memref<16xf32, #tpu.memory_space<vmem>>, vector<16xf32>,
        %swap3A_127 = vector.shape_cast %swap3A_126 : vector<16xf32> to vector<16xf32>
        %swap3A_128 = vector.shape_cast %mul3A_124 : vector<16xf32> to vector<16xf32>
        tpu.vector_store %arg14[%swap3A_125], %swap3A_128 {strides = array<i32>} : memref<16xf32, #tpu.memory_space<vmem>>, vector<16xf32>,
      } else {
      }
      %scan3A_43 = arith.constant 0 : i32
      scf.yield %scan3A_43 : i32
    }
    %scan3A_31 = arith.constant 100 : i32
    %eq3A = arith.constant 0 : i32
    %eq3A_32 = arith.cmpi eq, %arg0, %eq3A : i32
    %convert_element_type3A = arith.extui %eq3A_32 : i1 to i32
    %cond3A = arith.constant 0 : i32
    %cond3A_33 = arith.cmpi ne, %convert_element_type3A, %cond3A : i32
    scf.if %cond3A_33 {
      "tpu.region"() ({
        %run_scoped3A = tpu.sem_alloc : memref<!tpu.dma_semaphore, #tpu.memory_space<semaphore_mem>>
        %dma_start3A = tpu.memref_slice %arg4[%mul3A_0] : memref<10240xf32, #tpu.memory_space<hbm>> -> memref<640xf32, #tpu.memory_space<hbm>>
        %dma_start3A_34 = tpu.memref_slice %arg4[%mul3A_0] : memref<10240xf32, #tpu.memory_space<hbm>> -> memref<640xf32, #tpu.memory_space<hbm>>
        tpu.enqueue_dma source(%arg8 : memref<640xf32, #tpu.memory_space<vmem>>) target(%dma_start3A_34 : memref<640xf32, #tpu.memory_space<hbm>>) target_semaphore(%run_scoped3A : memref<!tpu.dma_semaphore, #tpu.memory_space<semaphore_mem>>)
        %dma_wait3A = tpu.memref_slice %arg4[%mul3A_0] : memref<10240xf32, #tpu.memory_space<hbm>> -> memref<640xf32, #tpu.memory_space<hbm>>
        %dma_wait3A_35 = tpu.memref_slice %arg4[%mul3A_0] : memref<10240xf32, #tpu.memory_space<hbm>> -> memref<640xf32, #tpu.memory_space<hbm>>
        tpu.wait_dma2 semaphore(%run_scoped3A : memref<!tpu.dma_semaphore, #tpu.memory_space<semaphore_mem>>) src(%arg8 : memref<640xf32, #tpu.memory_space<vmem>>) dst(%dma_wait3A_35 : memref<640xf32, #tpu.memory_space<hbm>>)
        tpu.yield
      }) : () -> ()
    } else {
    }
    return
  }
}

</mosaic_0001>

<sc_bundles>
// kernel: kernel.3.cloned.1.call-start
scs
__scs_entry_jumppad:
0x0: {  	(pc) =	sbr.rel $0x88, $3  }
0x1: {  	(tag) =	ssettag $0x0;
	lr =	simm.s32 $0x1  }
0x2: {  	[smem:$0x3FA0] =	sst lr;
	_ =	strace $0xD0000000  }
0x3: {  	_ = 	snop  }
0x4: {  	_ = 	snop  }
0x5: {  	_ = 	snop  }
0x6: {  	_ = 	snop  }
0x7: {  	_ = 	snop  }
__scs_overlays_trampoline_lowered:
0x8: {  	[smem:$0x3FAF] =	sst s0  }
0x9: {  	[smem:$0x3FB0] =	sst s1  }
0xa: {  	[smem:$0x3FB1] =	sst s2  }
0xb: {  	[smem:$0x3FB2] =	sst s3  }
0xc: {  	[smem:$0x3FB3] =	sst s4  }
0xd: {  	[smem:$0x3FB4] =	sst s5  }
0xe: {  	[smem:$0x3FB5] =	sst s6  }
0xf: {  	[smem:$0x3FB6] =	sst s7  }
0x10: {  	[smem:$0x3FB7] =	sst s8  }
0x11: {  	[smem:$0x3FB8] =	sst s9;
	s0 =	simm.s32 @!p0 $0x0  }
0x12: {  	s1 =	sld [smem:$0x3F9E];
	s0 =	simm.s32 @p0 $0x1  }
0x13: {  	[smem:$0x3FB9] =	sst s0;
	s0 =	simm.s32 @!p1 $0x0  }
0x14: {  	s2 =	sld [smem:$0x3F9D];
	s0 =	simm.s32 @p1 $0x1  }
0x15: {  	[smem:$0x3FBA] =	sst s0;
	s0 =	simm.s32 @!p2 $0x0  }
0x16: {  	s3 =	sld [smem:$0x3FDB];
	s0 =	simm.s32 @p2 $0x1  }
0x17: {  	s4 =	simm.s32 $0x1BF5;
	[smem:$0x3FBC] =	sst s0  }
0x18: {  	s0 =	sld [smem:$0x3F9F];
	_ =	swait.ge [sflag:s4], $0x0  }
0x19: {  	s7 =	sld [smem:$0x3FA0]  }
0x1a: {  	s8 =	sadd.s32 $0xFFFFE003, lr  }
0x1b: {  	s9 =	sadd.s32 $0xFFFFFEF7, lr;
	s5 =	simm.s32 $0xFFFFFFFF;
	p2 =	slt.u32 s8, $0xFFFFF086  }
0x1c: {  	p1 =	slt.u32 s9, $0xF7A;
	s5 =	simm.s32 @!p2 $0x0  }
0x1d: {  	s5 =	simm.s32 @p1 $0x1;
	p0 =	seq.s32 s7, s2  }
0x1e: {  	s7 =	smul.u32 @!p0 $0xF7A, s2;
	p2 =	seq.s32 @!p0 s5, $0x0  }
0x1f: {  	s9 =	smul.u32 $0xF7A, s1;
	s8 =	simm.s32 @!p0 $0x1BF5;
	p2 =	por !p2, p0  }
0x20: {  	[sflag:s8] =	ssyncset.s32 @!p0 $0xFFFFF086;
	s6 =	sadd.s32 @!p0 s3, s7;
	s7 =	simm.s32 @!p0 $0x108  }
0x21: {  	s3 =	sadd.s32 s3, s9;
	s6 =	sadd.s32 @!p0 $0x88, s6;
	s7 =	simm.s32 @p2 $0x1082  }
0x22: {  	[simem:s7], [sflag:s8] =	dma.local @!p0 [hbm:s6], $0xF7A  }
0x23: {  	s9 =	sor.u32 $0xD0000000, s2;
	s6 =	simm.s32 $0x108;
	_ =	swait.ge @!p0 [sflag:s8], $0x0  }
0x24: {  	s3 =	sadd.s32 $0x88, s3;
	s6 =	simm.s32 @!p1 $0x1082;
	[sflag:s4] =	ssyncset.s32 $0xFFFFF086  }
0x25: {  	[simem:s6], [sflag:s4] =	dma.local [hbm:s3], $0xF7A  }
0x26: {  	[smem:$0x3FA0] =	sst s1;
	(tag) =	ssettag s2;
	_ =	strace s9  }
0x27: {  	s1 =	sld [smem:$0x3FB0]  }
0x28: {  	s2 =	sld [smem:$0x3FB1]  }
0x29: {  	s4 =	sld [smem:$0x3FB3]  }
0x2a: {  	p0 =	seq.s32 s5, $0x0;
	s5 =	sld [smem:$0x3FB4]  }
0x2b: {  	s6 =	sld [smem:$0x3FB5]  }
0x2c: {  	s7 =	sld [smem:$0x3FB6]  }
0x2d: {  	s3 =	simm.s32 $0x108;
	s8 =	sld [smem:$0x3FB7]  }
0x2e: {  	s3 =	simm.s32 @!p0 $0x1082;
	s9 =	sld [smem:$0x3FB8]  }
0x2f: {  	lr =	sadd.s32 s0, s3;
	s0 =	sld [smem:$0x3FAF]  }
0x30: {  	s3 =	sld [smem:$0x3FB2]  }
0x31: {  	[smem:$0x3FBB] =	sst s10  }
0x32: {  	s10 =	sld [smem:$0x3FB9];
	_ =	sdelay $0x3  }
0x33: {  	p0 =	seq.s32 s10, $0x1;
	s10 =	sld [smem:$0x3FBB];
	_ =	sdelay $0x3  }
0x34: {  	[smem:$0x3FBB] =	sst s10  }
0x35: {  	s10 =	sld [smem:$0x3FBA];
	_ =	sdelay $0x3  }
0x36: {  	p1 =	seq.s32 s10, $0x1;
	s10 =	sld [smem:$0x3FBB];
	_ =	sdelay $0x3  }
0x37: {  	[smem:$0x3FBB] =	sst s10  }
0x38: {  	s10 =	sld [smem:$0x3FBC]  }
0x39: {  	_ = 	snop;
	(pc) =	sbr.ind lr, $3  }
0x3a: {  	_ = 	snop  }
0x3b: {  	_ = 	snop  }
0x3c: {  	p2 =	seq.s32 s10, $0x1;
	s10 =	sld [smem:$0x3FBB]  }
0x3d: {  	_ =	shalt  }
0x3e: {  	_ =	shalt  }
0x3f: {  	_ =	shalt  }
0x40: {  	_ =	shalt  }
0x41: {  	_ =	shalt  }
0x42: {  	_ =	shalt  }
0x43: {  	_ =	shalt  }
0x44: {  	_ =	shalt  }
0x45: {  	_ =	shalt  }
0x46: {  	_ =	shalt  }
0x47: {  	_ =	shalt  }
0x48: {  	_ =	shalt  }
0x49: {  	_ =	shalt  }
0x4a: {  	_ =	shalt  }
0x4b: {  	_ =	shalt  }
0x4c: {  	_ =	shalt  }
0x4d: {  	_ =	shalt  }
0x4e: {  	_ =	shalt  }
0x4f: {  	_ =	shalt  }
0x50: {  	_ =	shalt  }
0x51: {  	_ =	shalt  }
0x52: {  	_ =	shalt  }
0x53: {  	_ =	shalt  }
0x54: {  	_ =	shalt  }
0x55: {  	_ =	shalt  }
0x56: {  	_ =	shalt  }
0x57: {  	_ =	shalt  }
0x58: {  	_ =	shalt  }
0x59: {  	_ =	shalt  }
0x5a: {  	_ =	shalt  }
0x5b: {  	_ =	shalt  }
0x5c: {  	_ =	shalt  }
0x5d: {  	_ =	shalt  }
0x5e: {  	_ =	shalt  }
0x5f: {  	_ =	shalt  }
0x60: {  	_ =	shalt  }
0x61: {  	_ =	shalt  }
0x62: {  	_ =	shalt  }
0x63: {  	_ =	shalt  }
0x64: {  	_ =	shalt  }
0x65: {  	_ =	shalt  }
0x66: {  	_ =	shalt  }
0x67: {  	_ =	shalt  }
0x68: {  	_ =	shalt  }
0x69: {  	_ =	shalt  }
0x6a: {  	_ =	shalt  }
0x6b: {  	_ =	shalt  }
0x6c: {  	_ =	shalt  }
0x6d: {  	_ =	shalt  }
0x6e: {  	_ =	shalt  }
0x6f: {  	_ =	shalt  }
0x70: {  	_ =	shalt  }
0x71: {  	_ =	shalt  }
0x72: {  	_ =	shalt  }
0x73: {  	_ =	shalt  }
0x74: {  	_ =	shalt  }
0x75: {  	_ =	shalt  }
0x76: {  	_ =	shalt  }
0x77: {  	_ =	shalt  }
0x78: {  	_ =	shalt  }
0x79: {  	_ =	shalt  }
0x7a: {  	_ =	shalt  }
0x7b: {  	_ =	shalt  }
0x7c: {  	_ =	shalt  }
0x7d: {  	_ =	shalt  }
0x7e: {  	_ =	shalt  }
0x7f: {  	_ =	shalt  }
0x80: {  	_ =	shalt  }
0x81: {  	_ =	shalt  }
0x82: {  	_ =	shalt  }
0x83: {  	_ =	shalt  }
0x84: {  	_ =	shalt  }
0x85: {  	_ =	shalt  }
0x86: {  	_ =	shalt  }
0x87: {  	_ =	shalt  }
.Lfunc_end0:
.L_simem_size_0:
called_computation_lowered:
.L_overlay_start_0:
0x88: {  	s2 =	sld [smem:$0x3FD9]  }
0x89: {  	s3 =	sld [smem:$0x3FFE];
	_ =	sdelay $0x1  }
0x8a: {  	s1 =	srdreg.scid  }
0x8b: {  	s0 =	sand.u32 $0x1, s1  }
0x8c: {  	s17 =	sshll.u32 s0, $0xA;
	s2 =	sadd.s32 s3, s2  }
0x8d: {  	s2 =	sadd.s32 s2, s17  }
0x8e: {  	[smem:$0x3FC7] =	sst s2  }
0x8f: {  	_ = 	snop  }
0x90: {  	s2 =	sld [smem:$0x3FD0];
	(tm) =	ssettm $0x1  }
0x91: {  	s18 =	sld [smem:$0x3FFB];
	_ =	sdelay $0x3  }
0x92: {  	_ =	strace s18  }
0x93: {  	s3 =	sld [smem:$0x3FFC];
	_ =	sdelay $0x3  }
0x94: {  	_ =	strace s3  }
0x95: {  	s3 =	sld [smem:$0x3FFD];
	_ =	sdelay $0x3  }
0x96: {  	_ =	strace s3  }
0x97: {  	_ =	strace $0x8FFFFFFF  }
0x98: {  	s19 =	sld [smem:$0x3FDB];
	_ =	sdelay $0x1  }
0x99: {  	s4 =	simm.s32 $_scs_section_size  }
0x9a: {  	s5 =	simm.s32 $_size__tile_overlayer_lowered;
	s6 =	simm.s32 $_tile_overlayer_lowered  }
0x9b: {  	s22 =	simm.s32 $0x1BFF;
	s21 =	sshll.u32 s6, $0x1;
	s3 =	sadd.s32 s4, s19  }
0x9c: {  	s7 =	simm.s32 $0x0;
	s20 =	sshll.u32 s5, $0x1;
	s5 =	sadd.s32 s21, s3  }
0x9d: {  	[timem:s7], [sflag:s22] =	dma.local [hbm:s5], s20  }
0x9e: {  	_ =	swait.ge [sflag:s22], s20  }
0x9f: {  	s4 =	ssub.s32 $0x0, s20;
	[sflag:s22] =	ssyncset.done $0x0  }
0xa0: {  	[sflag:s22] =	ssyncadd.s32 s4;
	_ =	sdelay $0x1  }
0xa1: {  	s23 =	simm.s32 $0x1B8B  }
0xa2: {  	_ =	swait.ge [sflag:s23], $0x1  }
0xa3: {  	[sflag:s23] =	ssyncset.done $0x0  }
0xa4: {  	s25 =	simm.s32 $0x1B8E;
	s24 =	sld [smem:$0x3FFE];
	[sflag:s23] =	ssyncadd.s32 $0xFFFFFFFF  }
0xa5: {  	s26 =	simm.s32 $execute0_lowered;
	[smem:$0x3FD2] =	sst s25  }
0xa6: {  	s5 =	sshll.u32 s26, $0x1;
	_ =	strace $0x80000046;
	[dreg:$0x1] =	wrdreg $0xFFFFFFFF  }
0xa7: {  	s28 =	simm.s32 $_size_execute0_lowered;
	s3 =	sadd.s32 s3, s5;
	[dreg:$0x0] =	wrdreg $0x0  }
0xa8: {  	s5 =	sshll.u32 s28, $0x1;
	[dreg:$0x2] =	wrdreg s3  }
0xa9: {  	[dreg:$0x3] =	wrdreg s5  }
0xaa: {  	[dreg:$0x4] =	wrdreg $0xC0  }
0xab: {  	_ =	task [dreg:s7], $0x5FFFF  }
0xac: {  	[dreg:$0x1] =	wrdreg $0xFFFFFFFF  }
0xad: {  	[dreg:$0x0] =	wrdreg $0x60  }
0xae: {  	[dreg:$0x2] =	wrdreg s24  }
0xaf: {  	[dreg:$0x3] =	wrdreg s2  }
0xb0: {  	[dreg:$0x4] =	wrdreg $0x108000  }
0xb1: {  	[dreg:$0x5] =	wrdreg $0x105800  }
0xb2: {  	[dreg:$0x6] =	wrdreg $0x103000  }
0xb3: {  	[dreg:$0x7] =	wrdreg $0x9  }
0xb4: {  	_ =	task.clear_ibuf [dreg:s7], $0x8FFFF;
	_ =	strace $0x90000046  }
0xb5: {  	s29 =	simm.s32 $0x9;
	_ =	strace $0x80000048  }
0xb6: {  	_ =	swait.ge [sflag:s29], $0x1  }
0xb7: {  	[sflag:s29] =	ssyncadd.s32 $0xFFFFFFFF  }
0xb8: {  	_ =	strace $0x90000048  }
0xb9: {  	_ =	sfence  }
0xba: {  	s30 =	sld [smem:$0x0];
	_ =	sdelay $0x2  }
0xbb: {  	s31 =	sshll.u32 s1, $0xD;
	s1 =	sshrl.u32 s1, $0x2  }
0xbc: {  	s3 =	sand.u32 $0x4000, s31;
	s1 =	sadd.s32 s1, s30  }
0xbd: {  	s0 =	sor.u32 s3, s0;
	s1 =	sshll.u32 s1, $0x11  }
0xbe: {  	s0 =	sor.u32 s1, s0  }
0xbf: {  	s0 =	sadd.s32 $0x8F2B, s0  }
0xc0: {  	[sflag:s0] =	ssyncadd.remote.s32 $0x1  }
0xc1: {  	_ =	sfence.sel $0xFFFF  }
0xc2: {  	[dreg:$0x0] =	wrdreg $0xFFFFFFFF;
	(pc) =	sbr.abs _section_cstart, $3  }
0xc3: {  	[dreg:$0x1] =	wrdreg $0xFFFFFFFF  }
0xc4: {  	_ =	task.clear_ibuf [dreg:s7], $0x2FFFF;
	_ =	strace $0x9FFFFFFF  }
0xc5: {  	(tm) =	ssettm $0x7FFFFFFF  }
tec
execute0_lowered:
.L_overlay_start_1:
0x0: {  	(tag) =	ssettag $0x1  }
0x1: {  	s7 =	rddreg [dreg:$0x0]  }
0x2: {  	s12 =	rddreg [dreg:$0x1]  }
0x3: {  	s1 =	rddreg [dreg:$0x2]  }
0x4: {  	s3 =	rddreg [dreg:$0x3]  }
0x5: {  	s4 =	rddreg [dreg:$0x4]  }
0x6: {  	s0 =	rddreg [dreg:$0x5]  }
0x7: {  	s6 =	srdreg.scid;
	s2 =	stileid.u32  }
0x8: {  	s5 =	simm.s32 $0x0;
	s15 =	simm.s32 $0x4E80;
	s16 =	simm.s32 $0xF800  }
0x9: {  	s17 =	simm.s32 $0x4E20;
	s18 =	simm.s32 $0x9D00;
	s19 =	simm.s32 $0xF080  }
0xa: {  	s20 =	simm.s32 $0xEE00;
	s21 =	simm.s32 $0xFA80;
	s22 =	simm.s32 $0xFB00  }
0xb: {  	s23 =	sand.u32 $0x1, s6;
	s8 =	smul.u32 $0x9C4, s2;
	[smem:$0x7FF] =	sst s5  }
0xc: {  	s6 =	smul.u32 $0x280, s2;
	s11 =	sshll.u32 s2, $0x7;
	s9 =	ssub.s32 $0x2, s23  }
.Ltmp0:
0xd: {  	_ =	strace $0x80000047;
	s11 =	sadd.s32 s11, s1;
	(pc) =	sbr.rel .LBB2_1-.Ltmp0, $4  }
0xe: {  	p0 =	sne.s32 s23, $0x0;
	s23 =	simm.s32 $0x0;
	s10 =	sshrl.u32 s9, $0x1  }
0xf: {  	s7 =	sadd.s32 s7, s8;
	s14 =	sshrl.u32 s6, $0x3;
	s13 =	ssub.s32 s9, s10  }
0x10: {  	v0 =	vimm.f32 $9.999999740e-05;
	s8 =	sadd.s32 $0x9E00, s7;
	s9 =	sadd.s32 s6, s3;
	s10 =	sadd.s32 s6, s4  }
0x11: {  	v1 =	vimm.f32 $0.0e+00;
	v2 =	vimm.f32 $1.500000050e-05;
	v3 =	vimm.f32 $1.000000000e+00;
	s12 =	sadd.s32 s12, s14;
	s14 =	simm.s32 $0x1;
	s13 =	smax.u32 s13, $0x1  }
.LBB2_15:
0x12: {  	s24 =	simm.s32 @!p0 $0x0;
	s25 =	simm.s32 @!p0 $0xEB80;
	s23 =	sadd.s32 $0x1, s23  }
0x13: {  	[hbm4b:s12+s24] =	stream.linear.scatter @!p0 [tilespmem:s25], [sflag:$0x1], $0x280, $0x38;
	[tilespmem:$0x10810] =	vst v63  }
0x14: {  	p1 =	sne.s32 s23, s13  }
.Ltmp1:
0x15: {  	_ = 	snop;
	(pc) =	sbr.rel @!p1 .LBB2_16-.Ltmp1, $4  }
0x16: {  	s24 =	simm.s32 @!p0 $0x1  }
0x17: {  	_ =	swait.ge @!p0 [sflag:s24], $0x280  }
0x18: {  	[sflag:s24] =	ssyncset.done @!p0 $0x0  }
0x19: {  	[sflag:s24] =	ssyncadd.s32 @!p0 $0xFFFFFD80  }
.LBB2_1:
0x1a: {  	[tilespmem:s5], [sflag:$0x1] =	stream.linear.gather [hbm4b:s8+s5], $0x4E20, $0x38;
	[tilespmem:$0x10810] =	vst v63  }
0x1b: {  	_ =	swait.ge [sflag:s14], $0x4E20  }
0x1c: {  	[sflag:s14] =	ssyncset.done $0x0  }
0x1d: {  	[sflag:s14] =	ssyncadd.s32 $0xFFFFB1E0  }
0x1e: {  	[tilespmem:s15], [sflag:$0x1] =	stream.linear.gather [hbm4b:s7+s5], $0x4E20, $0x38;
	[tilespmem:$0x10810] =	vst v63  }
0x1f: {  	_ =	swait.ge [sflag:s14], $0x4E20  }
0x20: {  	[sflag:s14] =	ssyncset.done $0x0  }
0x21: {  	s24 =	smov.u32 s6;
	s25 =	simm.s32 $0x0;
	[sflag:s14] =	ssyncadd.s32 $0xFFFFB1E0  }
.LBB2_2:
0x22: {  	p1 =	slt.u32 s24, $0x2710  }
0x23: {  	s26 =	sshra.s32 s25, $0x2;
	v4 =	vpsel !p1, $0x0, v0  }
0x24: {  	[tilespmem:s26+$0xEB80] =	vst v4;
	v4 =	vpsel !p1, $0x0, v2;
	p1 =	sne.s32 s25, $0x9C0  }
.Ltmp2:
0x25: {  	_ = 	snop;
	(pc) =	sbr.rel @p1 .LBB2_2-.Ltmp2, $3  }
0x26: {  	_ =	sdelay $0x1  }
0x27: {  	[tilespmem:s26+$0xF800] =	vst v1  }
0x28: {  	s24 =	sadd.s32 $0x10, s24;
	s25 =	sadd.s32 $0x40, s25;
	[tilespmem:s26+$0xF580] =	vst v4  }
0x29: {  	s24 =	simm.s32 $0x40;
	s25 =	simm.s32 $0x0  }
.LBB2_4:
0x2a: {  	p1 =	sne.s32 s24, $0x13840;
	[tilespmem:s25+$0x9D00] =	vst v3;
	s25 =	smov.u32 s24;
	s24 =	sadd.s32 $0x40, s24  }
.Ltmp3:
0x2b: {  	(pc) =	sbr.rel @p1 .LBB2_4-.Ltmp3, $2  }
0x2c: {  	_ =	sdelay $0x2  }
0x2d: {  	s25 =	sshra.s32 s25, $0x2  }
0x2e: {  	[tilespmem:s25+$0x9D00] =	vst v3  }
0x2f: {  	[spmem:s9] =	stream.linear.scatter [tilespmem:s16], [sflag:$0x1], $0x280, $0x38;
	[tilespmem:$0x10810] =	vst v63  }
0x30: {  	_ =	swait.ge [sflag:s14], $0x280  }
0x31: {  	[sflag:s14] =	ssyncset.done $0x0  }
0x32: {  	[sflag:s14] =	ssyncadd.s32 $0xFFFFFD80  }
0x33: {  	[bflag:$0x0] =	sbarrier.arrive $0xFFFF  }
0x34: {  	[spmem:s3] =	stream.indirect.scatter.add.f32 [tilespmem:s18], [sflag:$0x1], $0x1, s15, s17, $0xb8;
	[tilespmem:$0x10810] =	vst v63  }
0x35: {  	_ =	swait.ge [sflag:s14], $0x4E20  }
0x36: {  	[sflag:s14] =	ssyncset.done $0x0  }
0x37: {  	[sflag:s14] =	ssyncadd.s32 $0xFFFFB1E0  }
0x38: {  	[bflag:$0x0] =	sbarrier.arrive $0xFFFF  }
0x39: {  	[tilespmem:s19], [sflag:$0x1] =	stream.linear.gather [spmem:s9], $0x280, $0x38;
	[tilespmem:$0x10810] =	vst v63  }
0x3a: {  	_ =	swait.ge [sflag:s14], $0x280  }
0x3b: {  	[sflag:s14] =	ssyncset.done $0x0  }
0x3c: {  	[sflag:s14] =	ssyncadd.s32 $0xFFFFFD80  }
0x3d: {  	[spmem:s9] =	stream.linear.scatter [tilespmem:s16], [sflag:$0x1], $0x280, $0x38;
	[tilespmem:$0x10810] =	vst v63  }
0x3e: {  	_ =	swait.ge [sflag:s14], $0x280  }
0x3f: {  	[sflag:s14] =	ssyncset.done $0x0  }
0x40: {  	s24 =	simm.s32 $0x0;
	[sflag:s14] =	ssyncadd.s32 $0xFFFFFD80  }
0x41: {  	v7 =	vld [tilespmem:s24+$0xF080];
	_ =	sdelay $0x4  }
0x42: {  	(erf) = vrcp.f32 v7;
	_ =	sdelay $0x2  }
0x43: {  	s25 =	simm.s32 $0x10  }
0x44: {  	v4 =	vld [tilespmem:s25+$0xF080];
	_ =	sdelay $0x4  }
0x45: {  	s26 =	simm.s32 $0x20;
	v6 =	vpop (erf);
	(erf) = vrcp.f32 v4  }
0x46: {  	v5 =	vld [tilespmem:s26+$0xF080];
	_ =	sdelay $0x2  }
0x47: {  	v6 =	vmul.f32 $8.500000230e-01, v6  }
0x48: {  	s28 =	simm.s32 $0xC0;
	vm0 =	vgt.f32 v7, $0.0e+00  }
.LBB2_6:
0x49: {  	s29 =	sshra.s32 s28, $0x2;
	p1 =	sne.s32 s28, $0x9C0;
	s28 =	sadd.s32 $0x40, s28;
	(erf) = vrcp.f32 v5;
	v6 =	vnsel vm0, $0x0, v6;
	v7 =	vmov v5  }
.Ltmp4:
0x4a: {  	v5 =	vld [tilespmem:s29+$0xF080];
	[tilespmem:s24+$0xF300] =	vst v6;
	s24 =	smov.u32 s25;
	s25 =	smov.u32 s26;
	(pc) =	sbr.rel @p1 .LBB2_6-.Ltmp4, $4  }
0x4b: {  	s26 =	smov.u32 s29  }
0x4c: {  	v6 =	vpop (erf)  }
0x4d: {  	v6 =	vmul.f32 $8.500000230e-01, v6  }
0x4e: {  	vm0 =	vgt.f32 v4, $0.0e+00;
	v4 =	vmov v7  }
0x4f: {  	(erf) = vrcp.f32 v5;
	_ =	sdelay $0x7  }
0x50: {  	v7 =	vpop (erf)  }
0x51: {  	v7 =	vmul.f32 $8.500000230e-01, v7;
	v8 =	vpop (erf)  }
.Ltmp5:
0x52: {  	v6 =	vnsel vm0, $0x0, v6;
	vm14 =	vgt.f32 v4, $0.0e+00;
	v4 =	vmul.f32 $8.500000230e-01, v8;
	(pc) =	sbr.rel .LBB2_8-.Ltmp5, $4  }
0x53: {  	vm15 =	vgt.f32 v5, $0.0e+00;
	[tilespmem:s24+$0xF300] =	vst v6;
	v6 =	vnsel vm14, $0x0, v7  }
0x54: {  	[tilespmem:s25+$0xF300] =	vst v6;
	v4 =	vnsel vm15, $0x0, v4  }
0x55: {  	[tilespmem:s26+$0xF300] =	vst v4;
	v4 =	vimm.f32 $1.000000000e+00  }
0x56: {  	s24 =	simm.s32 $0x0;
	[tilespmem:$0xFA80] =	vst v4  }
.LBB2_14:
0x57: {  	s24 =	sadd.s32 $0x1, s24  }
0x58: {  	p1 =	sne.s32 s24, $0x64  }
.Ltmp6:
0x59: {  	_ = 	snop;
	(pc) =	sbr.rel @!p1 .LBB2_15-.Ltmp6, $1  }
0x5a: {  	_ =	sdelay $0x3  }
.LBB2_8:
0x5b: {  	(v2sf) =	vpush v4, $0x0;
	_ =	sdelay $0xe  }
0x5c: {  	s25 =	spop (v2sf)  }
0x5d: {  	p1 =	slt.f32 s25, $9.999999770e-03  }
.Ltmp7:
0x5e: {  	_ = 	snop;
	(pc) =	sbr.rel @p1 .LBB2_14-.Ltmp7, $1  }
0x5f: {  	_ =	sdelay $0x3  }
0x60: {  	s25 =	simm.s32 $0x0  }
0x61: {  	v4 =	vld [tilespmem:s25+$0xEB80]  }
0x62: {  	s26 =	simm.s32 $0x40;
	v5 =	vld [tilespmem:s25+$0xF300]  }
.LBB2_10:
0x63: {  	_ = 	snop  }
0x64: {  	p1 =	sne.s32 s26, $0x9C0  }
.Ltmp8:
0x65: {  	_ = 	snop;
	(pc) =	sbr.rel @p1 .LBB2_10-.Ltmp8, $4  }
0x66: {  	_ = 	snop  }
0x67: {  	s28 =	sshra.s32 s26, $0x2;
	v6 =	vmul.f32 v5, v4  }
0x68: {  	v4 =	vld [tilespmem:s28+$0xEB80]  }
0x69: {  	s26 =	sadd.s32 $0x40, s26;
	v5 =	vld [tilespmem:s28+$0xF300];
	[tilespmem:s25+$0xEE00] =	vst v6;
	s25 =	smov.u32 s28  }
0x6a: {  	_ =	sdelay $0x3  }
0x6b: {  	v4 =	vmul.f32 v5, v4;
	_ =	sdelay $0x1  }
0x6c: {  	[tilespmem:s25+$0xEE00] =	vst v4  }
0x6d: {  	[spmem:s10] =	stream.linear.scatter [tilespmem:s20], [sflag:$0x1], $0x280, $0x38;
	[tilespmem:$0x10810] =	vst v63  }
0x6e: {  	_ =	swait.ge [sflag:s14], $0x280  }
0x6f: {  	[sflag:s14] =	ssyncset.done $0x0  }
0x70: {  	[sflag:s14] =	ssyncadd.s32 $0xFFFFFD80  }
0x71: {  	[bflag:$0x0] =	sbarrier.arrive $0xFFFF  }
0x72: {  	[tilespmem:s18], [sflag:$0x1] =	stream.indirect.gather [spmem:s4], $0x1, s15, s17, $0xb8;
	[tilespmem:$0x10810] =	vst v63  }
0x73: {  	_ =	swait.ge [sflag:s14], $0x4E20  }
0x74: {  	[sflag:s14] =	ssyncset.done $0x0  }
0x75: {  	s30 =	simm.s32 $0x0;
	[sflag:s14] =	ssyncadd.s32 $0xFFFFB1E0  }
0x76: {  	[spmem:s3] =	stream.indirect.scatter.add.f32 [tilespmem:s18], [sflag:$0x1], $0x1, s30, s17, $0xb8;
	[tilespmem:$0x10810] =	vst v63  }
0x77: {  	_ =	swait.ge [sflag:s14], $0x4E20  }
0x78: {  	[sflag:s14] =	ssyncset.done $0x0  }
0x79: {  	[sflag:s14] =	ssyncadd.s32 $0xFFFFB1E0  }
0x7a: {  	[bflag:$0x0] =	sbarrier.arrive $0xFFFF  }
0x7b: {  	[tilespmem:s19], [sflag:$0x1] =	stream.linear.gather [spmem:s9], $0x280, $0x38;
	[tilespmem:$0x10810] =	vst v63  }
0x7c: {  	_ =	swait.ge [sflag:s14], $0x280  }
0x7d: {  	[sflag:s14] =	ssyncset.done $0x0  }
0x7e: {  	[sflag:s14] =	ssyncadd.s32 $0xFFFFFD80  }
0x7f: {  	[spmem:s9] =	stream.linear.scatter [tilespmem:s16], [sflag:$0x1], $0x280, $0x38;
	[tilespmem:$0x10810] =	vst v63  }
0x80: {  	_ =	swait.ge [sflag:s14], $0x280  }
0x81: {  	[sflag:s14] =	ssyncset.done $0x0  }
0x82: {  	s31 =	simm.s32 $0x0;
	[sflag:s14] =	ssyncadd.s32 $0xFFFFFD80  }
0x83: {  	v4 =	vld [tilespmem:s31+$0xF080]  }
0x84: {  	v5 =	vld [tilespmem:s31+$0xF580]  }
0x85: {  	s28 =	simm.s32 $0x10  }
0x86: {  	v6 =	vld [tilespmem:s28+$0xF080]  }
0x87: {  	v7 =	vld [tilespmem:s28+$0xF580]  }
0x88: {  	v9 =	vld [tilespmem:s31+$0xEB80]  }
0x89: {  	v5 =	vadd.f32 v5, v4;
	_ =	sdelay $0x1  }
0x8a: {  	s25 =	simm.s32 $0x20;
	[tilespmem:s31+$0xEB80] =	vst v5  }
0x8b: {  	v6 =	vadd.f32 v7, v6;
	v4 =	vld [tilespmem:s25+$0xF080]  }
0x8c: {  	v9 =	vsub.f32 v5, v9;
	v8 =	vld [tilespmem:s25+$0xF580]  }
0x8d: {  	s26 =	simm.s32 $0xC0;
	v5 =	vimm.f32 $0.0e+00;
	v7 =	vld [tilespmem:s28+$0xEB80];
	[tilespmem:s28+$0xEB80] =	vst v6  }
.LBB2_12:
0x8e: {  	p1 =	sne.s32 s26, $0x9C0;
	v9 =	vand.u32 $0x7FFFFFFF, v9;
	s28 =	smov.u32 s26;
	s26 =	sadd.s32 $0x40, s26  }
.Ltmp9:
0x8f: {  	v5 =	vadd.f32 v9, v5;
	(pc) =	sbr.rel @p1 .LBB2_12-.Ltmp9, $4  }
0x90: {  	s28 =	sshra.s32 s28, $0x2  }
0x91: {  	v10 =	vadd.f32 v8, v4;
	v4 =	vld [tilespmem:s28+$0xF080]  }
0x92: {  	v8 =	vld [tilespmem:s28+$0xF580];
	v9 =	vsub.f32 v6, v7  }
0x93: {  	v7 =	vld [tilespmem:s25+$0xEB80];
	[tilespmem:s25+$0xEB80] =	vst v10;
	v6 =	vmov v10;
	s25 =	smov.u32 s28  }
0x94: {  	_ = 	snop  }
0x95: {  	v10 =	vld [tilespmem:s25+$0xEB80];
	_ =	sdelay $0x2  }
0x96: {  	v63 =	vand.u32 $0x7FFFFFFF, v9;
	v4 =	vadd.f32 v8, v4;
	v6 =	vsub.f32 v6, v7  }
0x97: {  	v5 =	vadd.f32 v63, v5  }
0x98: {  	v7 =	vsub.f32 v4, v10;
	v6 =	vand.u32 $0x7FFFFFFF, v6  }
0x99: {  	v5 =	vadd.f32 v6, v5  }
0x9a: {  	v6 =	vand.u32 $0x7FFFFFFF, v7  }
0x9b: {  	v5 =	vadd.f32 v6, v5  }
0x9c: {  	[tilespmem:s25+$0xEB80] =	vst v4  }
0x9d: {  	[tilespmem:$0xFA80] =	vst v5  }
0x9e: {  	[spmem:s11] =	stream.linear.scatter [tilespmem:s21], [sflag:$0x1], $0x80, $0x38;
	[tilespmem:$0x10810] =	vst v63  }
0x9f: {  	_ =	swait.ge [sflag:s14], $0x80  }
0xa0: {  	[sflag:s14] =	ssyncset.done $0x0  }
0xa1: {  	[sflag:s14] =	ssyncadd.s32 $0xFFFFFF80  }
0xa2: {  	[bflag:$0x0] =	sbarrier.arrive $0xFFFF  }
0xa3: {  	[tilespmem:s22], [sflag:$0x1] =	stream.linear.gather [spmem:s1], $0x800, $0x38;
	[tilespmem:$0x10810] =	vst v63  }
0xa4: {  	_ =	swait.ge [sflag:s14], $0x800  }
0xa5: {  	[sflag:s14] =	ssyncset.done $0x0  }
0xa6: {  	[sflag:s14] =	ssyncadd.s32 $0xFFFFF800  }
0xa7: {  	v4 =	vld [tilespmem:$0xFB00];
	_ =	sdelay $0x1  }
0xa8: {  	v5 =	vld [tilespmem:$0xFB80];
	_ =	sdelay $0x1  }
0xa9: {  	v6 =	vld [tilespmem:$0xFC00]  }
0xaa: {  	v4 =	vadd.f32 $0.0e+00, v4  }
0xab: {  	v7 =	vld [tilespmem:$0xFC80]  }
0xac: {  	v4 =	vadd.f32 v5, v4  }
0xad: {  	v5 =	vld [tilespmem:$0xFD00]  }
0xae: {  	v4 =	vadd.f32 v6, v4  }
0xaf: {  	v6 =	vld [tilespmem:$0xFD80]  }
0xb0: {  	v4 =	vadd.f32 v7, v4  }
0xb1: {  	v7 =	vld [tilespmem:$0xFE00]  }
0xb2: {  	v4 =	vadd.f32 v5, v4  }
0xb3: {  	v5 =	vld [tilespmem:$0xFE80]  }
0xb4: {  	v4 =	vadd.f32 v6, v4  }
0xb5: {  	v6 =	vld [tilespmem:$0xFF00]  }
0xb6: {  	v4 =	vadd.f32 v7, v4  }
0xb7: {  	v7 =	vld [tilespmem:$0xFF80]  }
0xb8: {  	v4 =	vadd.f32 v5, v4  }
0xb9: {  	v5 =	vld [tilespmem:$0x10000]  }
0xba: {  	v4 =	vadd.f32 v6, v4  }
0xbb: {  	v6 =	vld [tilespmem:$0x10080]  }
0xbc: {  	v4 =	vadd.f32 v7, v4  }
0xbd: {  	v7 =	vld [tilespmem:$0x10100]  }
0xbe: {  	v4 =	vadd.f32 v5, v4  }
0xbf: {  	v5 =	vld [tilespmem:$0x10180]  }
0xc0: {  	v4 =	vadd.f32 v6, v4  }
0xc1: {  	v6 =	vld [tilespmem:$0x10200]  }
0xc2: {  	v4 =	vadd.f32 v7, v4  }
0xc3: {  	v7 =	vld [tilespmem:$0x10280]  }
0xc4: {  	v4 =	vadd.f32 v5, v4;
	_ =	sdelay $0x1  }
0xc5: {  	v4 =	vadd.f32 v6, v4;
	_ =	sdelay $0x1  }
0xc6: {  	v4 =	vadd.f32 v7, v4;
	_ =	sdelay $0x1  }
0xc7: {  	(v2sf) =	vpush v4, $0x0;
	_ =	sdelay $0x1  }
0xc8: {  	(v2sf) =	vpush v4, $0x1;
	_ =	sdelay $0x1  }
0xc9: {  	(v2sf) =	vpush v4, $0x2;
	_ =	sdelay $0x1  }
0xca: {  	(v2sf) =	vpush v4, $0x3;
	_ =	sdelay $0x1  }
0xcb: {  	(v2sf) =	vpush v4, $0x4;
	_ =	sdelay $0x1  }
0xcc: {  	(v2sf) =	vpush v4, $0x5;
	_ =	sdelay $0x1  }
0xcd: {  	(v2sf) =	vpush v4, $0x6;
	_ =	sdelay $0x1  }
0xce: {  	(v2sf) =	vpush v4, $0x7  }
0xcf: {  	s29 =	spop (v2sf)  }
0xd0: {  	(v2sf) =	vpush v4, $0x8;
	s25 =	sadd.f32 $0.0e+00, s29  }
0xd1: {  	s26 =	spop (v2sf)  }
0xd2: {  	(v2sf) =	vpush v4, $0x9;
	s25 =	sadd.f32 s25, s26  }
0xd3: {  	s30 =	spop (v2sf)  }
0xd4: {  	(v2sf) =	vpush v4, $0xA;
	s25 =	sadd.f32 s25, s30  }
0xd5: {  	s31 =	spop (v2sf)  }
0xd6: {  	(v2sf) =	vpush v4, $0xB;
	s25 =	sadd.f32 s25, s31  }
0xd7: {  	s28 =	spop (v2sf)  }
0xd8: {  	(v2sf) =	vpush v4, $0xC;
	s25 =	sadd.f32 s25, s28  }
0xd9: {  	s29 =	spop (v2sf)  }
0xda: {  	(v2sf) =	vpush v4, $0xD;
	s25 =	sadd.f32 s25, s29  }
0xdb: {  	s30 =	spop (v2sf)  }
0xdc: {  	(v2sf) =	vpush v4, $0xE;
	s25 =	sadd.f32 s25, s30  }
0xdd: {  	s31 =	spop (v2sf)  }
0xde: {  	(v2sf) =	vpush v4, $0xF;
	s25 =	sadd.f32 s25, s31  }
0xdf: {  	s28 =	spop (v2sf)  }
0xe0: {  	s25 =	sadd.f32 s25, s28  }
0xe1: {  	s29 =	spop (v2sf)  }
0xe2: {  	s25 =	sadd.f32 s25, s29  }
0xe3: {  	s30 =	spop (v2sf)  }
0xe4: {  	s25 =	sadd.f32 s25, s30  }
0xe5: {  	s31 =	spop (v2sf)  }
0xe6: {  	s25 =	sadd.f32 s25, s31  }
0xe7: {  	s28 =	spop (v2sf)  }
0xe8: {  	s25 =	sadd.f32 s25, s28  }
0xe9: {  	s29 =	spop (v2sf)  }
0xea: {  	s25 =	sadd.f32 s25, s29  }
0xeb: {  	s30 =	spop (v2sf)  }
0xec: {  	s25 =	sadd.f32 s25, s30  }
.Ltmp10:
0xed: {  	s31 =	spop (v2sf);
	(pc) =	sbr.rel .LBB2_14-.Ltmp10, $3  }
0xee: {  	s25 =	sadd.f32 s25, s31;
	_ =	sdelay $0x1  }
0xef: {  	v4 =	vmov s25  }
0xf0: {  	[tilespmem:$0xFA80] =	vst v4  }
.LBB2_16:
0xf1: {  	_ =	sfence.sel $0x180000  }
0xf2: {  	[bflag:$0x0] =	sbarrier.arrive $0xFFFF  }
0xf3: {  	p0 =	sne.s32 s2, $0x0;
	_ =	strace $0x90000047  }
0xf4: {  	s0 =	sadd.s32 @!p0 $0x100000, s0;
	[bflag:$0x2] =	sbarrier.arrive $0xFFFF  }
0xf5: {  	[sflag:s0] =	ssyncadd.tile.s32 @!p0 $0x1;
	_ =	shalt  }
.Lfunc_end2:
_tile_overlayer_lowered:
.L_overlay_start_2:
0xf6: {  	(tag) =	ssettag $0x2  }
0xf7: {  	s0 =	rddreg [dreg:$0x0];
	s2 =	stileid.u32  }
0xf8: {  	s1 =	rddreg [dreg:$0x1];
	p0 =	sne.s32 s2, $0x0  }
0xf9: {  	s3 =	rddreg [dreg:$0x2];
	[bflag:$0x3] =	sbarrier.arrive $0xFFFF;
	s2 =	simm.s32 @!p0 $0x1C01  }
0xfa: {  	[timem:s3], [sflag:s2] =	dma.local @!p0 [hbm:s0], s1  }
0xfb: {  	s0 =	simm.s32 @!p0 $0x1  }
0xfc: {  	_ =	swait.ge @!p0 [sflag:s0], s1  }
0xfd: {  	s1 =	ssub.s32 @!p0 $0x0, s1;
	[sflag:s0] =	ssyncset.done @!p0 $0x0  }
0xfe: {  	[sflag:s0] =	ssyncadd.s32 @!p0 s1  }
0xff: {  	[bflag:$0x3] =	sbarrier.arrive $0xFFFF  }
0x100: {  	_ =	shalt  }

</sc_bundles>
